<compile_context>
chip_gen: v7x
topology: tpu7x:2x2x1
jax: 0.10.2.dev20260603
libtpu: 0.0.44.dev20260713+nightly
codegen_flags: <defaults>
</compile_context>

<pallas_src>
import functools

import jax
import jax.numpy as jnp
from jax import lax
from jax.experimental import pallas as pl
from jax.experimental.pallas import tpu as pltpu
from jax.experimental.pallas import tpu_sc as plsc

N_E = 8192
E_DIM = 32
N_TOK = 16384
HALF = N_E // 2

TOK_BLK = 2048

_SC_CORES = 2
_SC_SUBCORES = 16
_NW = _SC_CORES * _SC_SUBCORES
_ROWS_PER_W = N_TOK // _NW


_LANES = 128
_NCHUNK = HALF // _LANES


def _half_reduce(dh):
    vals = dh[:, :_LANES]
    sidx = jnp.zeros((TOK_BLK, _LANES), jnp.float32)
    for s in range(1, _NCHUNK):
        dv = dh[:, s * _LANES:(s + 1) * _LANES]
        sidx = jnp.where(dv < vals, float(s), sidx)
        vals = jnp.minimum(vals, dv)
    v = jnp.min(vals, axis=1, keepdims=True)
    lanes = lax.broadcasted_iota(jnp.int32, (TOK_BLK, _LANES), 1).astype(jnp.float32)
    cand = jnp.where(vals == v, sidx * float(_LANES) + lanes, float(N_E))
    return v, jnp.min(cand, axis=1, keepdims=True)


def _argmin_body(x_ref, wt2_ref, xsq_ref, wsq_ref, idx_ref):
    xb = x_ref[...]
    wt2 = wt2_ref[...]
    m2 = jnp.dot(xb, wt2, preferred_element_type=jnp.float32)
    d = (xsq_ref[...] + wsq_ref[...]) + m2
    vA, iA = _half_reduce(d[:, :HALF])
    vB, iB = _half_reduce(d[:, HALF:])
    vab = vA.astype(jnp.bfloat16).astype(jnp.float32)
    idx_ref[...] = jnp.where(vab <= vB, iA, iB + float(HALF)).astype(jnp.int32)


def _compute_indices(x, wt2, xsq, wsq):
    grid = N_TOK // TOK_BLK
    return pl.pallas_call(
        _argmin_body,
        grid=(grid,),
        in_specs=[
            pl.BlockSpec((TOK_BLK, E_DIM), lambda i: (i, 0)),
            pl.BlockSpec((E_DIM, N_E), lambda i: (0, 0)),
            pl.BlockSpec((TOK_BLK, 1), lambda i: (i, 0)),
            pl.BlockSpec((1, N_E), lambda i: (0, 0)),
        ],
        out_specs=pl.BlockSpec((TOK_BLK, 1), lambda i: (i, 0)),
        out_shape=jax.ShapeDtypeStruct((N_TOK, 1), jnp.int32),
    )(x, wt2, xsq, wsq).reshape(N_TOK)


_CHUNK = 128
_CHUNKS_PER_W = _ROWS_PER_W // _CHUNK


@functools.lru_cache(maxsize=1)
def _make_sc_gather():
    @functools.partial(
        pl.kernel,
        mesh=plsc.VectorSubcoreMesh(core_axis_name="c", subcore_axis_name="s"),
        out_type=jax.ShapeDtypeStruct((N_TOK, E_DIM), jnp.float32),
        scratch_types=[
            pltpu.VMEM((_CHUNKS_PER_W, _CHUNK), jnp.int32),
            pltpu.VMEM((_ROWS_PER_W, E_DIM), jnp.float32),
            pltpu.SemaphoreType.DMA,
        ],
        compiler_params=pltpu.CompilerParams(use_tc_tiling_on_sc=False),
    )
    def _sc_gather(table_hbm, idx_hbm, out_hbm, idx_v, rows_v, sem):
        wid = lax.axis_index("s") * _SC_CORES + lax.axis_index("c")
        pltpu.sync_copy(idx_hbm.at[pl.ds(wid * _CHUNKS_PER_W, _CHUNKS_PER_W)], idx_v)
        copies = [
            pltpu.async_copy(
                table_hbm.at[idx_v.at[j]],
                rows_v.at[pl.ds(j * _CHUNK, _CHUNK)],
                sem,
            )
            for j in range(_CHUNKS_PER_W)
        ]
        for c in copies:
            c.wait()
        pltpu.sync_copy(rows_v, out_hbm.at[pl.ds(wid * _ROWS_PER_W, _ROWS_PER_W)])

    return _sc_gather


def kernel(x, W):
    xsq = jnp.sum(x ** 2, axis=1).reshape(N_TOK, 1)
    wsq = jnp.sum(W ** 2, axis=1).reshape(1, N_E)
    idx = _compute_indices(x, -2.0 * W.T, xsq, wsq)
    z_q = _make_sc_gather()(W, idx.reshape(N_TOK // _CHUNK, _CHUNK))
    return (z_q, idx)

# --- scband reference (transcript-rebuilt; emitter-appended) ---
"""Pipeline reference for scband-quantizer-module-4157528342985 (READ-ONLY COPY).

The authoritative reference and input builder live on the scoring server;
editing this copy changes nothing except your own understanding.
"""

import jax, jax.numpy as jnp
import numpy as np

N_E = 8192
E_DIM = 32
N_TOK = 16384


def setup_inputs(seed: int = 0) -> dict:
    key = jax.random.key(seed)
    k1, k2 = jax.random.split(key)
    x = jax.random.normal(k1, (N_TOK, E_DIM), dtype=jnp.float32)
    # embedding weight initialized uniform(-1/n_e, 1/n_e) as in torch module
    W = jax.random.uniform(k2, (N_E, E_DIM), dtype=jnp.float32, minval=-1.0 / N_E, maxval=1.0 / N_E)
    return {"x": x, "W": W}


def reference(x, W):
    # d[i, j] = ||x_i||^2 + ||w_j||^2 - 2 x_i . w_j
    d = jnp.sum(x ** 2, axis=1, keepdims=True) + jnp.sum(W ** 2, axis=1) - 2.0 * jnp.matmul(x, W.T)
    min_indices = jnp.argmin(d, axis=1)
    z_q = jnp.take(W, min_indices, axis=0)
    return (z_q, min_indices)

if __name__ == "__main__":
    import jax
    _d = setup_inputs()
    print(jax.jit(kernel)(*tuple(_d.values())))

</pallas_src>

<mosaic_0001>
#map = affine_map<(d0, d1) -> (0, 0)>
module attributes {stable_mosaic.version = 14 : i64} {
  func.func @_sc_gather(%arg0: i32, %arg1: i32, %arg2: memref<8192x32xf32, #tpu.memory_space<hbm>>, %arg3: memref<128x128xi32, #tpu.memory_space<hbm>>, %arg4: memref<16384x32xf32, #tpu.memory_space<hbm>>, %arg5: memref<4x128xi32, #tpu.memory_space<vmem>>, %arg6: memref<512x32xf32, #tpu.memory_space<vmem>>, %arg7: memref<!tpu.dma_semaphore, #tpu.memory_space<semaphore_mem>>) attributes {dimension_semantics = [#tpu.dimension_semantics<core_parallel>, #tpu.dimension_semantics<subcore_parallel>], iteration_bounds = array<i64: 2, 16>, scalar_prefetch = 0 : i64, scratch_operands = 3 : i64, tpu.core_type = #tpu.core_type<sc_vector_subcore>, window_params = [{transform_indices = #map}, {transform_indices = #map}, {transform_indices = #map}]} {
    %mul3A = arith.constant 2 : i32
    %mul3A_0 = arith.muli %arg1, %mul3A : i32
    %add3A = arith.addi %mul3A_0, %arg0 : i32
    %mul3A_1 = arith.constant 4 : i32
    %mul3A_2 = arith.muli %add3A, %mul3A_1 : i32
    "tpu.region"() ({
      %run_scoped3A = tpu.sem_alloc : memref<!tpu.dma_semaphore, #tpu.memory_space<semaphore_mem>>
      %dma_start3A_83 = arith.constant 0 : i32
      %dma_start3A_84 = tpu.memref_slice %arg3[%mul3A_2, %dma_start3A_83] : memref<128x128xi32, #tpu.memory_space<hbm>> -> memref<4x128xi32, #tpu.memory_space<hbm>>
      %dma_start3A_85 = arith.constant 0 : i32
      %dma_start3A_86 = tpu.memref_slice %arg3[%mul3A_2, %dma_start3A_85] : memref<128x128xi32, #tpu.memory_space<hbm>> -> memref<4x128xi32, #tpu.memory_space<hbm>>
      tpu.enqueue_dma source(%dma_start3A_86 : memref<4x128xi32, #tpu.memory_space<hbm>>) target(%arg5 : memref<4x128xi32, #tpu.memory_space<vmem>>) target_semaphore(%run_scoped3A : memref<!tpu.dma_semaphore, #tpu.memory_space<semaphore_mem>>)
      %dma_wait3A_87 = arith.constant 0 : i32
      %dma_wait3A_88 = tpu.memref_slice %arg3[%mul3A_2, %dma_wait3A_87] : memref<128x128xi32, #tpu.memory_space<hbm>> -> memref<4x128xi32, #tpu.memory_space<hbm>>
      %dma_wait3A_89 = arith.constant 0 : i32
      %dma_wait3A_90 = tpu.memref_slice %arg3[%mul3A_2, %dma_wait3A_89] : memref<128x128xi32, #tpu.memory_space<hbm>> -> memref<4x128xi32, #tpu.memory_space<hbm>>
      tpu.wait_dma2 semaphore(%run_scoped3A : memref<!tpu.dma_semaphore, #tpu.memory_space<semaphore_mem>>) src(%dma_wait3A_90 : memref<4x128xi32, #tpu.memory_space<hbm>>) dst(%arg5 : memref<4x128xi32, #tpu.memory_space<vmem>>)
      tpu.yield
    }) : () -> ()
    %dma_start3A = arith.constant 0 : i32
    %dma_start3A_3 = arith.constant 0 : i32
    %dma_start3A_4 = arith.constant 0 : i32
    %dma_start3A_5 = tpu.memref_slice %arg6[%dma_start3A_3, %dma_start3A_4] : memref<512x32xf32, #tpu.memory_space<vmem>> -> memref<128x32xf32, #tpu.memory_space<vmem>>
    %dma_start3A_6 = arith.constant 0 : i32
    %dma_start3A_7 = tpu.memref_slice %arg5[%dma_start3A, %dma_start3A_6] : memref<4x128xi32, #tpu.memory_space<vmem>> -> memref<1x128xi32, #tpu.memory_space<vmem>>
    %dma_start3A_8 = tpu.memref_squeeze %dma_start3A_7 : memref<1x128xi32, #tpu.memory_space<vmem>> -> memref<128xi32, #tpu.memory_space<vmem>>
    %dma_start3A_9 = arith.constant 0 : i32
    %dma_start3A_10 = arith.constant 0 : i32
    %dma_start3A_11 = tpu.memref_slice %arg2[%dma_start3A_9, %dma_start3A_10] : memref<8192x32xf32, #tpu.memory_space<hbm>> -> memref<8192x32xf32, #tpu.memory_space<hbm>>
    tpu.enqueue_indirect_dma source(%dma_start3A_11 : memref<8192x32xf32, #tpu.memory_space<hbm>>) target(%dma_start3A_5 : memref<128x32xf32, #tpu.memory_space<vmem>>) offsets(%dma_start3A_8 : memref<128xi32, #tpu.memory_space<vmem>>) semaphore(%arg7 : memref<!tpu.dma_semaphore, #tpu.memory_space<semaphore_mem>>)
    %dma_start3A_12 = arith.constant 1 : i32
    %dma_start3A_13 = arith.constant 128 : i32
    %dma_start3A_14 = arith.constant 0 : i32
    %dma_start3A_15 = tpu.memref_slice %arg6[%dma_start3A_13, %dma_start3A_14] : memref<512x32xf32, #tpu.memory_space<vmem>> -> memref<128x32xf32, #tpu.memory_space<vmem>>
    %dma_start3A_16 = arith.constant 0 : i32
    %dma_start3A_17 = tpu.memref_slice %arg5[%dma_start3A_12, %dma_start3A_16] : memref<4x128xi32, #tpu.memory_space<vmem>> -> memref<1x128xi32, #tpu.memory_space<vmem>>
    %dma_start3A_18 = tpu.memref_squeeze %dma_start3A_17 : memref<1x128xi32, #tpu.memory_space<vmem>> -> memref<128xi32, #tpu.memory_space<vmem>>
    %dma_start3A_19 = arith.constant 0 : i32
    %dma_start3A_20 = arith.constant 0 : i32
    %dma_start3A_21 = tpu.memref_slice %arg2[%dma_start3A_19, %dma_start3A_20] : memref<8192x32xf32, #tpu.memory_space<hbm>> -> memref<8192x32xf32, #tpu.memory_space<hbm>>
    tpu.enqueue_indirect_dma source(%dma_start3A_21 : memref<8192x32xf32, #tpu.memory_space<hbm>>) target(%dma_start3A_15 : memref<128x32xf32, #tpu.memory_space<vmem>>) offsets(%dma_start3A_18 : memref<128xi32, #tpu.memory_space<vmem>>) semaphore(%arg7 : memref<!tpu.dma_semaphore, #tpu.memory_space<semaphore_mem>>)
    %dma_start3A_22 = arith.constant 2 : i32
    %dma_start3A_23 = arith.constant 256 : i32
    %dma_start3A_24 = arith.constant 0 : i32
    %dma_start3A_25 = tpu.memref_slice %arg6[%dma_start3A_23, %dma_start3A_24] : memref<512x32xf32, #tpu.memory_space<vmem>> -> memref<128x32xf32, #tpu.memory_space<vmem>>
    %dma_start3A_26 = arith.constant 0 : i32
    %dma_start3A_27 = tpu.memref_slice %arg5[%dma_start3A_22, %dma_start3A_26] : memref<4x128xi32, #tpu.memory_space<vmem>> -> memref<1x128xi32, #tpu.memory_space<vmem>>
    %dma_start3A_28 = tpu.memref_squeeze %dma_start3A_27 : memref<1x128xi32, #tpu.memory_space<vmem>> -> memref<128xi32, #tpu.memory_space<vmem>>
    %dma_start3A_29 = arith.constant 0 : i32
    %dma_start3A_30 = arith.constant 0 : i32
    %dma_start3A_31 = tpu.memref_slice %arg2[%dma_start3A_29, %dma_start3A_30] : memref<8192x32xf32, #tpu.memory_space<hbm>> -> memref<8192x32xf32, #tpu.memory_space<hbm>>
    tpu.enqueue_indirect_dma source(%dma_start3A_31 : memref<8192x32xf32, #tpu.memory_space<hbm>>) target(%dma_start3A_25 : memref<128x32xf32, #tpu.memory_space<vmem>>) offsets(%dma_start3A_28 : memref<128xi32, #tpu.memory_space<vmem>>) semaphore(%arg7 : memref<!tpu.dma_semaphore, #tpu.memory_space<semaphore_mem>>)
    %dma_start3A_32 = arith.constant 3 : i32
    %dma_start3A_33 = arith.constant 384 : i32
    %dma_start3A_34 = arith.constant 0 : i32
    %dma_start3A_35 = tpu.memref_slice %arg6[%dma_start3A_33, %dma_start3A_34] : memref<512x32xf32, #tpu.memory_space<vmem>> -> memref<128x32xf32, #tpu.memory_space<vmem>>
    %dma_start3A_36 = arith.constant 0 : i32
    %dma_start3A_37 = tpu.memref_slice %arg5[%dma_start3A_32, %dma_start3A_36] : memref<4x128xi32, #tpu.memory_space<vmem>> -> memref<1x128xi32, #tpu.memory_space<vmem>>
    %dma_start3A_38 = tpu.memref_squeeze %dma_start3A_37 : memref<1x128xi32, #tpu.memory_space<vmem>> -> memref<128xi32, #tpu.memory_space<vmem>>
    %dma_start3A_39 = arith.constant 0 : i32
    %dma_start3A_40 = arith.constant 0 : i32
    %dma_start3A_41 = tpu.memref_slice %arg2[%dma_start3A_39, %dma_start3A_40] : memref<8192x32xf32, #tpu.memory_space<hbm>> -> memref<8192x32xf32, #tpu.memory_space<hbm>>
    tpu.enqueue_indirect_dma source(%dma_start3A_41 : memref<8192x32xf32, #tpu.memory_space<hbm>>) target(%dma_start3A_35 : memref<128x32xf32, #tpu.memory_space<vmem>>) offsets(%dma_start3A_38 : memref<128xi32, #tpu.memory_space<vmem>>) semaphore(%arg7 : memref<!tpu.dma_semaphore, #tpu.memory_space<semaphore_mem>>)
    %dma_wait3A = arith.constant 0 : i32
    %dma_wait3A_42 = arith.constant 0 : i32
    %dma_wait3A_43 = arith.constant 0 : i32
    %dma_wait3A_44 = tpu.memref_slice %arg6[%dma_wait3A_42, %dma_wait3A_43] : memref<512x32xf32, #tpu.memory_space<vmem>> -> memref<128x32xf32, #tpu.memory_space<vmem>>
    %dma_wait3A_45 = arith.constant 0 : i32
    %dma_wait3A_46 = tpu.memref_slice %arg5[%dma_wait3A, %dma_wait3A_45] : memref<4x128xi32, #tpu.memory_space<vmem>> -> memref<1x128xi32, #tpu.memory_space<vmem>>
    %dma_wait3A_47 = tpu.memref_squeeze %dma_wait3A_46 : memref<1x128xi32, #tpu.memory_space<vmem>> -> memref<128xi32, #tpu.memory_space<vmem>>
    %dma_wait3A_48 = arith.constant 0 : i32
    %dma_wait3A_49 = arith.constant 0 : i32
    %dma_wait3A_50 = tpu.memref_slice %arg2[%dma_wait3A_48, %dma_wait3A_49] : memref<8192x32xf32, #tpu.memory_space<hbm>> -> memref<8192x32xf32, #tpu.memory_space<hbm>>
    tpu.wait_indirect_dma semaphore(%arg7 : memref<!tpu.dma_semaphore, #tpu.memory_space<semaphore_mem>>) src(%dma_wait3A_50 : memref<8192x32xf32, #tpu.memory_space<hbm>>) dst(%dma_wait3A_44 : memref<128x32xf32, #tpu.memory_space<vmem>>)
    %dma_wait3A_51 = arith.constant 1 : i32
    %dma_wait3A_52 = arith.constant 128 : i32
    %dma_wait3A_53 = arith.constant 0 : i32
    %dma_wait3A_54 = tpu.memref_slice %arg6[%dma_wait3A_52, %dma_wait3A_53] : memref<512x32xf32, #tpu.memory_space<vmem>> -> memref<128x32xf32, #tpu.memory_space<vmem>>
    %dma_wait3A_55 = arith.constant 0 : i32
    %dma_wait3A_56 = tpu.memref_slice %arg5[%dma_wait3A_51, %dma_wait3A_55] : memref<4x128xi32, #tpu.memory_space<vmem>> -> memref<1x128xi32, #tpu.memory_space<vmem>>
    %dma_wait3A_57 = tpu.memref_squeeze %dma_wait3A_56 : memref<1x128xi32, #tpu.memory_space<vmem>> -> memref<128xi32, #tpu.memory_space<vmem>>
    %dma_wait3A_58 = arith.constant 0 : i32
    %dma_wait3A_59 = arith.constant 0 : i32
    %dma_wait3A_60 = tpu.memref_slice %arg2[%dma_wait3A_58, %dma_wait3A_59] : memref<8192x32xf32, #tpu.memory_space<hbm>> -> memref<8192x32xf32, #tpu.memory_space<hbm>>
    tpu.wait_indirect_dma semaphore(%arg7 : memref<!tpu.dma_semaphore, #tpu.memory_space<semaphore_mem>>) src(%dma_wait3A_60 : memref<8192x32xf32, #tpu.memory_space<hbm>>) dst(%dma_wait3A_54 : memref<128x32xf32, #tpu.memory_space<vmem>>)
    %dma_wait3A_61 = arith.constant 2 : i32
    %dma_wait3A_62 = arith.constant 256 : i32
    %dma_wait3A_63 = arith.constant 0 : i32
    %dma_wait3A_64 = tpu.memref_slice %arg6[%dma_wait3A_62, %dma_wait3A_63] : memref<512x32xf32, #tpu.memory_space<vmem>> -> memref<128x32xf32, #tpu.memory_space<vmem>>
    %dma_wait3A_65 = arith.constant 0 : i32
    %dma_wait3A_66 = tpu.memref_slice %arg5[%dma_wait3A_61, %dma_wait3A_65] : memref<4x128xi32, #tpu.memory_space<vmem>> -> memref<1x128xi32, #tpu.memory_space<vmem>>
    %dma_wait3A_67 = tpu.memref_squeeze %dma_wait3A_66 : memref<1x128xi32, #tpu.memory_space<vmem>> -> memref<128xi32, #tpu.memory_space<vmem>>
    %dma_wait3A_68 = arith.constant 0 : i32
    %dma_wait3A_69 = arith.constant 0 : i32
    %dma_wait3A_70 = tpu.memref_slice %arg2[%dma_wait3A_68, %dma_wait3A_69] : memref<8192x32xf32, #tpu.memory_space<hbm>> -> memref<8192x32xf32, #tpu.memory_space<hbm>>
    tpu.wait_indirect_dma semaphore(%arg7 : memref<!tpu.dma_semaphore, #tpu.memory_space<semaphore_mem>>) src(%dma_wait3A_70 : memref<8192x32xf32, #tpu.memory_space<hbm>>) dst(%dma_wait3A_64 : memref<128x32xf32, #tpu.memory_space<vmem>>)
    %dma_wait3A_71 = arith.constant 3 : i32
    %dma_wait3A_72 = arith.constant 384 : i32
    %dma_wait3A_73 = arith.constant 0 : i32
    %dma_wait3A_74 = tpu.memref_slice %arg6[%dma_wait3A_72, %dma_wait3A_73] : memref<512x32xf32, #tpu.memory_space<vmem>> -> memref<128x32xf32, #tpu.memory_space<vmem>>
    %dma_wait3A_75 = arith.constant 0 : i32
    %dma_wait3A_76 = tpu.memref_slice %arg5[%dma_wait3A_71, %dma_wait3A_75] : memref<4x128xi32, #tpu.memory_space<vmem>> -> memref<1x128xi32, #tpu.memory_space<vmem>>
    %dma_wait3A_77 = tpu.memref_squeeze %dma_wait3A_76 : memref<1x128xi32, #tpu.memory_space<vmem>> -> memref<128xi32, #tpu.memory_space<vmem>>
    %dma_wait3A_78 = arith.constant 0 : i32
    %dma_wait3A_79 = arith.constant 0 : i32
    %dma_wait3A_80 = tpu.memref_slice %arg2[%dma_wait3A_78, %dma_wait3A_79] : memref<8192x32xf32, #tpu.memory_space<hbm>> -> memref<8192x32xf32, #tpu.memory_space<hbm>>
    tpu.wait_indirect_dma semaphore(%arg7 : memref<!tpu.dma_semaphore, #tpu.memory_space<semaphore_mem>>) src(%dma_wait3A_80 : memref<8192x32xf32, #tpu.memory_space<hbm>>) dst(%dma_wait3A_74 : memref<128x32xf32, #tpu.memory_space<vmem>>)
    %mul3A_81 = arith.constant 512 : i32
    %mul3A_82 = arith.muli %add3A, %mul3A_81 : i32
    "tpu.region"() ({
      %run_scoped3A = tpu.sem_alloc : memref<!tpu.dma_semaphore, #tpu.memory_space<semaphore_mem>>
      %dma_start3A_83 = arith.constant 0 : i32
      %dma_start3A_84 = tpu.memref_slice %arg4[%mul3A_82, %dma_start3A_83] : memref<16384x32xf32, #tpu.memory_space<hbm>> -> memref<512x32xf32, #tpu.memory_space<hbm>>
      %dma_start3A_85 = arith.constant 0 : i32
      %dma_start3A_86 = tpu.memref_slice %arg4[%mul3A_82, %dma_start3A_85] : memref<16384x32xf32, #tpu.memory_space<hbm>> -> memref<512x32xf32, #tpu.memory_space<hbm>>
      tpu.enqueue_dma source(%arg6 : memref<512x32xf32, #tpu.memory_space<vmem>>) target(%dma_start3A_86 : memref<512x32xf32, #tpu.memory_space<hbm>>) target_semaphore(%run_scoped3A : memref<!tpu.dma_semaphore, #tpu.memory_space<semaphore_mem>>)
      %dma_wait3A_87 = arith.constant 0 : i32
      %dma_wait3A_88 = tpu.memref_slice %arg4[%mul3A_82, %dma_wait3A_87] : memref<16384x32xf32, #tpu.memory_space<hbm>> -> memref<512x32xf32, #tpu.memory_space<hbm>>
      %dma_wait3A_89 = arith.constant 0 : i32
      %dma_wait3A_90 = tpu.memref_slice %arg4[%mul3A_82, %dma_wait3A_89] : memref<16384x32xf32, #tpu.memory_space<hbm>> -> memref<512x32xf32, #tpu.memory_space<hbm>>
      tpu.wait_dma2 semaphore(%run_scoped3A : memref<!tpu.dma_semaphore, #tpu.memory_space<semaphore_mem>>) src(%arg6 : memref<512x32xf32, #tpu.memory_space<vmem>>) dst(%dma_wait3A_90 : memref<512x32xf32, #tpu.memory_space<hbm>>)
      tpu.yield
    }) : () -> ()
    return
  }
}

module attributes {stable_mosaic.version = 14 : i64} {
  func.func @_argmin_body(%arg0: i32, %arg1: memref<2048x32xf32, #tpu.memory_space<vmem>>, %arg2: memref<32x8192xf32, #tpu.memory_space<vmem>>, %arg3: memref<2048x1xf32, #tpu.memory_space<vmem>>, %arg4: memref<1x8192xf32, #tpu.memory_space<vmem>>, %arg5: memref<2048x1xi32, #tpu.memory_space<vmem>>) attributes {dimension_semantics = [#tpu.dimension_semantics<arbitrary>], iteration_bounds = array<i64: 8>, scalar_prefetch = 0 : i64, scratch_operands = 0 : i64, tpu.core_type = #tpu.core_type<tc>, window_params = [{transform_indices = @transform_0, window_bounds = array<i64: 2048, 32>}, {pipeline_mode = #tpu.pipeline_mode<synchronous>, transform_indices = @transform_1, window_bounds = array<i64: 32, 8192>}, {transform_indices = @transform_2, window_bounds = array<i64: 2048, 1>}, {pipeline_mode = #tpu.pipeline_mode<synchronous>, transform_indices = @transform_3, window_bounds = array<i64: 1, 8192>}, {transform_indices = @transform_4, window_bounds = array<i64: 2048, 1>}]} {
    %get3A = arith.constant 0 : index
    %get3A_0 = arith.constant 0 : index
    %get3A_1 = vector.load %arg1[%get3A, %get3A_0] : memref<2048x32xf32, #tpu.memory_space<vmem>>, vector<2048x32xf32>
    %get3A_2 = arith.constant 0 : index
    %get3A_3 = arith.constant 0 : index
    %get3A_4 = vector.load %arg2[%get3A_2, %get3A_3] : memref<32x8192xf32, #tpu.memory_space<vmem>>, vector<32x8192xf32>
    %dot_general3A = arith.constant dense<0.000000e+00> : vector<2048x8192xf32>
    %dot_general3A_5 = tpu.matmul %get3A_1, %get3A_4, %dot_general3A {dimension_numbers = #tpu.dot_dimension_numbers<[1], [0], [0], [1], [0, 0, 1, 1], [], []>, transpose_lhs_hint = false} : vector<2048x32xf32>, vector<32x8192xf32>, vector<2048x8192xf32> -> vector<2048x8192xf32>
    %get3A_6 = arith.constant 0 : index
    %get3A_7 = arith.constant 0 : index
    %get3A_8 = vector.load %arg3[%get3A_6, %get3A_7] : memref<2048x1xf32, #tpu.memory_space<vmem>>, vector<2048x1xf32>
    %get3A_9 = arith.constant 0 : index
    %get3A_10 = arith.constant 0 : index
    %get3A_11 = vector.load %arg4[%get3A_9, %get3A_10] : memref<1x8192xf32, #tpu.memory_space<vmem>>, vector<1x8192xf32>
    %add3A = vector.broadcast %get3A_8 : vector<2048x1xf32> to vector<2048x8192xf32>
    %add3A_12 = vector.broadcast %get3A_11 : vector<1x8192xf32> to vector<2048x8192xf32>
    %add3A_13 = arith.addf %add3A, %add3A_12 : vector<2048x8192xf32>
    %add3A_14 = arith.addf %add3A_13, %dot_general3A_5 : vector<2048x8192xf32>
    %slice3A = vector.extract_strided_slice %add3A_14 {offsets = [0, 0], sizes = [2048, 4096], strides = [1, 1]} : vector<2048x8192xf32> to vector<2048x4096xf32>
    %slice3A_15 = vector.extract_strided_slice %slice3A {offsets = [0, 0], sizes = [2048, 128], strides = [1, 1]} : vector<2048x4096xf32> to vector<2048x128xf32>
    %broadcast_in_dim3A = arith.constant 0.000000e+00 : f32
    %broadcast_in_dim3A_16 = vector.broadcast %broadcast_in_dim3A : f32 to vector<2048x128xf32>
    %slice3A_17 = vector.extract_strided_slice %slice3A {offsets = [0, 128], sizes = [2048, 128], strides = [1, 1]} : vector<2048x4096xf32> to vector<2048x128xf32>
    %lt3A = arith.cmpf olt, %slice3A_17, %slice3A_15 : vector<2048x128xf32>
    %jit3A = arith.constant 1.000000e+00 : f32
    %broadcast_in_dim3A_18 = vector.broadcast %jit3A : f32 to vector<2048x128xf32>
    %select_n3A = arith.select %lt3A, %broadcast_in_dim3A_18, %broadcast_in_dim3A_16 : vector<2048x128xi1>, vector<2048x128xf32>
    %min3A = arith.minimumf %slice3A_15, %slice3A_17 : vector<2048x128xf32>
    %slice3A_19 = vector.extract_strided_slice %slice3A {offsets = [0, 256], sizes = [2048, 128], strides = [1, 1]} : vector<2048x4096xf32> to vector<2048x128xf32>
    %lt3A_20 = arith.cmpf olt, %slice3A_19, %min3A : vector<2048x128xf32>
    %jit3A_21 = arith.constant 2.000000e+00 : f32
    %broadcast_in_dim3A_22 = vector.broadcast %jit3A_21 : f32 to vector<2048x128xf32>
    %select_n3A_23 = arith.select %lt3A_20, %broadcast_in_dim3A_22, %select_n3A : vector<2048x128xi1>, vector<2048x128xf32>
    %min3A_24 = arith.minimumf %min3A, %slice3A_19 : vector<2048x128xf32>
    %slice3A_25 = vector.extract_strided_slice %slice3A {offsets = [0, 384], sizes = [2048, 128], strides = [1, 1]} : vector<2048x4096xf32> to vector<2048x128xf32>
    %lt3A_26 = arith.cmpf olt, %slice3A_25, %min3A_24 : vector<2048x128xf32>
    %jit3A_27 = arith.constant 3.000000e+00 : f32
    %broadcast_in_dim3A_28 = vector.broadcast %jit3A_27 : f32 to vector<2048x128xf32>
    %select_n3A_29 = arith.select %lt3A_26, %broadcast_in_dim3A_28, %select_n3A_23 : vector<2048x128xi1>, vector<2048x128xf32>
    %min3A_30 = arith.minimumf %min3A_24, %slice3A_25 : vector<2048x128xf32>
    %slice3A_31 = vector.extract_strided_slice %slice3A {offsets = [0, 512], sizes = [2048, 128], strides = [1, 1]} : vector<2048x4096xf32> to vector<2048x128xf32>
    %lt3A_32 = arith.cmpf olt, %slice3A_31, %min3A_30 : vector<2048x128xf32>
    %jit3A_33 = arith.constant 4.000000e+00 : f32
    %broadcast_in_dim3A_34 = vector.broadcast %jit3A_33 : f32 to vector<2048x128xf32>
    %select_n3A_35 = arith.select %lt3A_32, %broadcast_in_dim3A_34, %select_n3A_29 : vector<2048x128xi1>, vector<2048x128xf32>
    %min3A_36 = arith.minimumf %min3A_30, %slice3A_31 : vector<2048x128xf32>
    %slice3A_37 = vector.extract_strided_slice %slice3A {offsets = [0, 640], sizes = [2048, 128], strides = [1, 1]} : vector<2048x4096xf32> to vector<2048x128xf32>
    %lt3A_38 = arith.cmpf olt, %slice3A_37, %min3A_36 : vector<2048x128xf32>
    %jit3A_39 = arith.constant 5.000000e+00 : f32
    %broadcast_in_dim3A_40 = vector.broadcast %jit3A_39 : f32 to vector<2048x128xf32>
    %select_n3A_41 = arith.select %lt3A_38, %broadcast_in_dim3A_40, %select_n3A_35 : vector<2048x128xi1>, vector<2048x128xf32>
    %min3A_42 = arith.minimumf %min3A_36, %slice3A_37 : vector<2048x128xf32>
    %slice3A_43 = vector.extract_strided_slice %slice3A {offsets = [0, 768], sizes = [2048, 128], strides = [1, 1]} : vector<2048x4096xf32> to vector<2048x128xf32>
    %lt3A_44 = arith.cmpf olt, %slice3A_43, %min3A_42 : vector<2048x128xf32>
    %jit3A_45 = arith.constant 6.000000e+00 : f32
    %broadcast_in_dim3A_46 = vector.broadcast %jit3A_45 : f32 to vector<2048x128xf32>
    %select_n3A_47 = arith.select %lt3A_44, %broadcast_in_dim3A_46, %select_n3A_41 : vector<2048x128xi1>, vector<2048x128xf32>
    %min3A_48 = arith.minimumf %min3A_42, %slice3A_43 : vector<2048x128xf32>
    %slice3A_49 = vector.extract_strided_slice %slice3A {offsets = [0, 896], sizes = [2048, 128], strides = [1, 1]} : vector<2048x4096xf32> to vector<2048x128xf32>
    %lt3A_50 = arith.cmpf olt, %slice3A_49, %min3A_48 : vector<2048x128xf32>
    %jit3A_51 = arith.constant 7.000000e+00 : f32
    %broadcast_in_dim3A_52 = vector.broadcast %jit3A_51 : f32 to vector<2048x128xf32>
    %select_n3A_53 = arith.select %lt3A_50, %broadcast_in_dim3A_52, %select_n3A_47 : vector<2048x128xi1>, vector<2048x128xf32>
    %min3A_54 = arith.minimumf %min3A_48, %slice3A_49 : vector<2048x128xf32>
    %slice3A_55 = vector.extract_strided_slice %slice3A {offsets = [0, 1024], sizes = [2048, 128], strides = [1, 1]} : vector<2048x4096xf32> to vector<2048x128xf32>
    %lt3A_56 = arith.cmpf olt, %slice3A_55, %min3A_54 : vector<2048x128xf32>
    %jit3A_57 = arith.constant 8.000000e+00 : f32
    %broadcast_in_dim3A_58 = vector.broadcast %jit3A_57 : f32 to vector<2048x128xf32>
    %select_n3A_59 = arith.select %lt3A_56, %broadcast_in_dim3A_58, %select_n3A_53 : vector<2048x128xi1>, vector<2048x128xf32>
    %min3A_60 = arith.minimumf %min3A_54, %slice3A_55 : vector<2048x128xf32>
    %slice3A_61 = vector.extract_strided_slice %slice3A {offsets = [0, 1152], sizes = [2048, 128], strides = [1, 1]} : vector<2048x4096xf32> to vector<2048x128xf32>
    %lt3A_62 = arith.cmpf olt, %slice3A_61, %min3A_60 : vector<2048x128xf32>
    %jit3A_63 = arith.constant 9.000000e+00 : f32
    %broadcast_in_dim3A_64 = vector.broadcast %jit3A_63 : f32 to vector<2048x128xf32>
    %select_n3A_65 = arith.select %lt3A_62, %broadcast_in_dim3A_64, %select_n3A_59 : vector<2048x128xi1>, vector<2048x128xf32>
    %min3A_66 = arith.minimumf %min3A_60, %slice3A_61 : vector<2048x128xf32>
    %slice3A_67 = vector.extract_strided_slice %slice3A {offsets = [0, 1280], sizes = [2048, 128], strides = [1, 1]} : vector<2048x4096xf32> to vector<2048x128xf32>
    %lt3A_68 = arith.cmpf olt, %slice3A_67, %min3A_66 : vector<2048x128xf32>
    %jit3A_69 = arith.constant 1.000000e+01 : f32
    %broadcast_in_dim3A_70 = vector.broadcast %jit3A_69 : f32 to vector<2048x128xf32>
    %select_n3A_71 = arith.select %lt3A_68, %broadcast_in_dim3A_70, %select_n3A_65 : vector<2048x128xi1>, vector<2048x128xf32>
    %min3A_72 = arith.minimumf %min3A_66, %slice3A_67 : vector<2048x128xf32>
    %slice3A_73 = vector.extract_strided_slice %slice3A {offsets = [0, 1408], sizes = [2048, 128], strides = [1, 1]} : vector<2048x4096xf32> to vector<2048x128xf32>
    %lt3A_74 = arith.cmpf olt, %slice3A_73, %min3A_72 : vector<2048x128xf32>
    %jit3A_75 = arith.constant 1.100000e+01 : f32
    %broadcast_in_dim3A_76 = vector.broadcast %jit3A_75 : f32 to vector<2048x128xf32>
    %select_n3A_77 = arith.select %lt3A_74, %broadcast_in_dim3A_76, %select_n3A_71 : vector<2048x128xi1>, vector<2048x128xf32>
    %min3A_78 = arith.minimumf %min3A_72, %slice3A_73 : vector<2048x128xf32>
    %slice3A_79 = vector.extract_strided_slice %slice3A {offsets = [0, 1536], sizes = [2048, 128], strides = [1, 1]} : vector<2048x4096xf32> to vector<2048x128xf32>
    %lt3A_80 = arith.cmpf olt, %slice3A_79, %min3A_78 : vector<2048x128xf32>
    %jit3A_81 = arith.constant 1.200000e+01 : f32
    %broadcast_in_dim3A_82 = vector.broadcast %jit3A_81 : f32 to vector<2048x128xf32>
    %select_n3A_83 = arith.select %lt3A_80, %broadcast_in_dim3A_82, %select_n3A_77 : vector<2048x128xi1>, vector<2048x128xf32>
    %min3A_84 = arith.minimumf %min3A_78, %slice3A_79 : vector<2048x128xf32>
    %slice3A_85 = vector.extract_strided_slice %slice3A {offsets = [0, 1664], sizes = [2048, 128], strides = [1, 1]} : vector<2048x4096xf32> to vector<2048x128xf32>
    %lt3A_86 = arith.cmpf olt, %slice3A_85, %min3A_84 : vector<2048x128xf32>
    %jit3A_87 = arith.constant 1.300000e+01 : f32
    %broadcast_in_dim3A_88 = vector.broadcast %jit3A_87 : f32 to vector<2048x128xf32>
    %select_n3A_89 = arith.select %lt3A_86, %broadcast_in_dim3A_88, %select_n3A_83 : vector<2048x128xi1>, vector<2048x128xf32>
    %min3A_90 = arith.minimumf %min3A_84, %slice3A_85 : vector<2048x128xf32>
    %slice3A_91 = vector.extract_strided_slice %slice3A {offsets = [0, 1792], sizes = [2048, 128], strides = [1, 1]} : vector<2048x4096xf32> to vector<2048x128xf32>
    %lt3A_92 = arith.cmpf olt, %slice3A_91, %min3A_90 : vector<2048x128xf32>
    %jit3A_93 = arith.constant 1.400000e+01 : f32
    %broadcast_in_dim3A_94 = vector.broadcast %jit3A_93 : f32 to vector<2048x128xf32>
    %select_n3A_95 = arith.select %lt3A_92, %broadcast_in_dim3A_94, %select_n3A_89 : vector<2048x128xi1>, vector<2048x128xf32>
    %min3A_96 = arith.minimumf %min3A_90, %slice3A_91 : vector<2048x128xf32>
    %slice3A_97 = vector.extract_strided_slice %slice3A {offsets = [0, 1920], sizes = [2048, 128], strides = [1, 1]} : vector<2048x4096xf32> to vector<2048x128xf32>
    %lt3A_98 = arith.cmpf olt, %slice3A_97, %min3A_96 : vector<2048x128xf32>
    %jit3A_99 = arith.constant 1.500000e+01 : f32
    %broadcast_in_dim3A_100 = vector.broadcast %jit3A_99 : f32 to vector<2048x128xf32>
    %select_n3A_101 = arith.select %lt3A_98, %broadcast_in_dim3A_100, %select_n3A_95 : vector<2048x128xi1>, vector<2048x128xf32>
    %min3A_102 = arith.minimumf %min3A_96, %slice3A_97 : vector<2048x128xf32>
    %slice3A_103 = vector.extract_strided_slice %slice3A {offsets = [0, 2048], sizes = [2048, 128], strides = [1, 1]} : vector<2048x4096xf32> to vector<2048x128xf32>
    %lt3A_104 = arith.cmpf olt, %slice3A_103, %min3A_102 : vector<2048x128xf32>
    %jit3A_105 = arith.constant 1.600000e+01 : f32
    %broadcast_in_dim3A_106 = vector.broadcast %jit3A_105 : f32 to vector<2048x128xf32>
    %select_n3A_107 = arith.select %lt3A_104, %broadcast_in_dim3A_106, %select_n3A_101 : vector<2048x128xi1>, vector<2048x128xf32>
    %min3A_108 = arith.minimumf %min3A_102, %slice3A_103 : vector<2048x128xf32>
    %slice3A_109 = vector.extract_strided_slice %slice3A {offsets = [0, 2176], sizes = [2048, 128], strides = [1, 1]} : vector<2048x4096xf32> to vector<2048x128xf32>
    %lt3A_110 = arith.cmpf olt, %slice3A_109, %min3A_108 : vector<2048x128xf32>
    %jit3A_111 = arith.constant 1.700000e+01 : f32
    %broadcast_in_dim3A_112 = vector.broadcast %jit3A_111 : f32 to vector<2048x128xf32>
    %select_n3A_113 = arith.select %lt3A_110, %broadcast_in_dim3A_112, %select_n3A_107 : vector<2048x128xi1>, vector<2048x128xf32>
    %min3A_114 = arith.minimumf %min3A_108, %slice3A_109 : vector<2048x128xf32>
    %slice3A_115 = vector.extract_strided_slice %slice3A {offsets = [0, 2304], sizes = [2048, 128], strides = [1, 1]} : vector<2048x4096xf32> to vector<2048x128xf32>
    %lt3A_116 = arith.cmpf olt, %slice3A_115, %min3A_114 : vector<2048x128xf32>
    %jit3A_117 = arith.constant 1.800000e+01 : f32
    %broadcast_in_dim3A_118 = vector.broadcast %jit3A_117 : f32 to vector<2048x128xf32>
    %select_n3A_119 = arith.select %lt3A_116, %broadcast_in_dim3A_118, %select_n3A_113 : vector<2048x128xi1>, vector<2048x128xf32>
    %min3A_120 = arith.minimumf %min3A_114, %slice3A_115 : vector<2048x128xf32>
    %slice3A_121 = vector.extract_strided_slice %slice3A {offsets = [0, 2432], sizes = [2048, 128], strides = [1, 1]} : vector<2048x4096xf32> to vector<2048x128xf32>
    %lt3A_122 = arith.cmpf olt, %slice3A_121, %min3A_120 : vector<2048x128xf32>
    %jit3A_123 = arith.constant 1.900000e+01 : f32
    %broadcast_in_dim3A_124 = vector.broadcast %jit3A_123 : f32 to vector<2048x128xf32>
    %select_n3A_125 = arith.select %lt3A_122, %broadcast_in_dim3A_124, %select_n3A_119 : vector<2048x128xi1>, vector<2048x128xf32>
    %min3A_126 = arith.minimumf %min3A_120, %slice3A_121 : vector<2048x128xf32>
    %slice3A_127 = vector.extract_strided_slice %slice3A {offsets = [0, 2560], sizes = [2048, 128], strides = [1, 1]} : vector<2048x4096xf32> to vector<2048x128xf32>
    %lt3A_128 = arith.cmpf olt, %slice3A_127, %min3A_126 : vector<2048x128xf32>
    %jit3A_129 = arith.constant 2.000000e+01 : f32
    %broadcast_in_dim3A_130 = vector.broadcast %jit3A_129 : f32 to vector<2048x128xf32>
    %select_n3A_131 = arith.select %lt3A_128, %broadcast_in_dim3A_130, %select_n3A_125 : vector<2048x128xi1>, vector<2048x128xf32>
    %min3A_132 = arith.minimumf %min3A_126, %slice3A_127 : vector<2048x128xf32>
    %slice3A_133 = vector.extract_strided_slice %slice3A {offsets = [0, 2688], sizes = [2048, 128], strides = [1, 1]} : vector<2048x4096xf32> to vector<2048x128xf32>
    %lt3A_134 = arith.cmpf olt, %slice3A_133, %min3A_132 : vector<2048x128xf32>
    %jit3A_135 = arith.constant 2.100000e+01 : f32
    %broadcast_in_dim3A_136 = vector.broadcast %jit3A_135 : f32 to vector<2048x128xf32>
    %select_n3A_137 = arith.select %lt3A_134, %broadcast_in_dim3A_136, %select_n3A_131 : vector<2048x128xi1>, vector<2048x128xf32>
    %min3A_138 = arith.minimumf %min3A_132, %slice3A_133 : vector<2048x128xf32>
    %slice3A_139 = vector.extract_strided_slice %slice3A {offsets = [0, 2816], sizes = [2048, 128], strides = [1, 1]} : vector<2048x4096xf32> to vector<2048x128xf32>
    %lt3A_140 = arith.cmpf olt, %slice3A_139, %min3A_138 : vector<2048x128xf32>
    %jit3A_141 = arith.constant 2.200000e+01 : f32
    %broadcast_in_dim3A_142 = vector.broadcast %jit3A_141 : f32 to vector<2048x128xf32>
    %select_n3A_143 = arith.select %lt3A_140, %broadcast_in_dim3A_142, %select_n3A_137 : vector<2048x128xi1>, vector<2048x128xf32>
    %min3A_144 = arith.minimumf %min3A_138, %slice3A_139 : vector<2048x128xf32>
    %slice3A_145 = vector.extract_strided_slice %slice3A {offsets = [0, 2944], sizes = [2048, 128], strides = [1, 1]} : vector<2048x4096xf32> to vector<2048x128xf32>
    %lt3A_146 = arith.cmpf olt, %slice3A_145, %min3A_144 : vector<2048x128xf32>
    %jit3A_147 = arith.constant 2.300000e+01 : f32
    %broadcast_in_dim3A_148 = vector.broadcast %jit3A_147 : f32 to vector<2048x128xf32>
    %select_n3A_149 = arith.select %lt3A_146, %broadcast_in_dim3A_148, %select_n3A_143 : vector<2048x128xi1>, vector<2048x128xf32>
    %min3A_150 = arith.minimumf %min3A_144, %slice3A_145 : vector<2048x128xf32>
    %slice3A_151 = vector.extract_strided_slice %slice3A {offsets = [0, 3072], sizes = [2048, 128], strides = [1, 1]} : vector<2048x4096xf32> to vector<2048x128xf32>
    %lt3A_152 = arith.cmpf olt, %slice3A_151, %min3A_150 : vector<2048x128xf32>
    %jit3A_153 = arith.constant 2.400000e+01 : f32
    %broadcast_in_dim3A_154 = vector.broadcast %jit3A_153 : f32 to vector<2048x128xf32>
    %select_n3A_155 = arith.select %lt3A_152, %broadcast_in_dim3A_154, %select_n3A_149 : vector<2048x128xi1>, vector<2048x128xf32>
    %min3A_156 = arith.minimumf %min3A_150, %slice3A_151 : vector<2048x128xf32>
    %slice3A_157 = vector.extract_strided_slice %slice3A {offsets = [0, 3200], sizes = [2048, 128], strides = [1, 1]} : vector<2048x4096xf32> to vector<2048x128xf32>
    %lt3A_158 = arith.cmpf olt, %slice3A_157, %min3A_156 : vector<2048x128xf32>
    %jit3A_159 = arith.constant 2.500000e+01 : f32
    %broadcast_in_dim3A_160 = vector.broadcast %jit3A_159 : f32 to vector<2048x128xf32>
    %select_n3A_161 = arith.select %lt3A_158, %broadcast_in_dim3A_160, %select_n3A_155 : vector<2048x128xi1>, vector<2048x128xf32>
    %min3A_162 = arith.minimumf %min3A_156, %slice3A_157 : vector<2048x128xf32>
    %slice3A_163 = vector.extract_strided_slice %slice3A {offsets = [0, 3328], sizes = [2048, 128], strides = [1, 1]} : vector<2048x4096xf32> to vector<2048x128xf32>
    %lt3A_164 = arith.cmpf olt, %slice3A_163, %min3A_162 : vector<2048x128xf32>
    %jit3A_165 = arith.constant 2.600000e+01 : f32
    %broadcast_in_dim3A_166 = vector.broadcast %jit3A_165 : f32 to vector<2048x128xf32>
    %select_n3A_167 = arith.select %lt3A_164, %broadcast_in_dim3A_166, %select_n3A_161 : vector<2048x128xi1>, vector<2048x128xf32>
    %min3A_168 = arith.minimumf %min3A_162, %slice3A_163 : vector<2048x128xf32>
    %slice3A_169 = vector.extract_strided_slice %slice3A {offsets = [0, 3456], sizes = [2048, 128], strides = [1, 1]} : vector<2048x4096xf32> to vector<2048x128xf32>
    %lt3A_170 = arith.cmpf olt, %slice3A_169, %min3A_168 : vector<2048x128xf32>
    %jit3A_171 = arith.constant 2.700000e+01 : f32
    %broadcast_in_dim3A_172 = vector.broadcast %jit3A_171 : f32 to vector<2048x128xf32>
    %select_n3A_173 = arith.select %lt3A_170, %broadcast_in_dim3A_172, %select_n3A_167 : vector<2048x128xi1>, vector<2048x128xf32>
    %min3A_174 = arith.minimumf %min3A_168, %slice3A_169 : vector<2048x128xf32>
    %slice3A_175 = vector.extract_strided_slice %slice3A {offsets = [0, 3584], sizes = [2048, 128], strides = [1, 1]} : vector<2048x4096xf32> to vector<2048x128xf32>
    %lt3A_176 = arith.cmpf olt, %slice3A_175, %min3A_174 : vector<2048x128xf32>
    %jit3A_177 = arith.constant 2.800000e+01 : f32
    %broadcast_in_dim3A_178 = vector.broadcast %jit3A_177 : f32 to vector<2048x128xf32>
    %select_n3A_179 = arith.select %lt3A_176, %broadcast_in_dim3A_178, %select_n3A_173 : vector<2048x128xi1>, vector<2048x128xf32>
    %min3A_180 = arith.minimumf %min3A_174, %slice3A_175 : vector<2048x128xf32>
    %slice3A_181 = vector.extract_strided_slice %slice3A {offsets = [0, 3712], sizes = [2048, 128], strides = [1, 1]} : vector<2048x4096xf32> to vector<2048x128xf32>
    %lt3A_182 = arith.cmpf olt, %slice3A_181, %min3A_180 : vector<2048x128xf32>
    %jit3A_183 = arith.constant 2.900000e+01 : f32
    %broadcast_in_dim3A_184 = vector.broadcast %jit3A_183 : f32 to vector<2048x128xf32>
    %select_n3A_185 = arith.select %lt3A_182, %broadcast_in_dim3A_184, %select_n3A_179 : vector<2048x128xi1>, vector<2048x128xf32>
    %min3A_186 = arith.minimumf %min3A_180, %slice3A_181 : vector<2048x128xf32>
    %slice3A_187 = vector.extract_strided_slice %slice3A {offsets = [0, 3840], sizes = [2048, 128], strides = [1, 1]} : vector<2048x4096xf32> to vector<2048x128xf32>
    %lt3A_188 = arith.cmpf olt, %slice3A_187, %min3A_186 : vector<2048x128xf32>
    %jit3A_189 = arith.constant 3.000000e+01 : f32
    %broadcast_in_dim3A_190 = vector.broadcast %jit3A_189 : f32 to vector<2048x128xf32>
    %select_n3A_191 = arith.select %lt3A_188, %broadcast_in_dim3A_190, %select_n3A_185 : vector<2048x128xi1>, vector<2048x128xf32>
    %min3A_192 = arith.minimumf %min3A_186, %slice3A_187 : vector<2048x128xf32>
    %slice3A_193 = vector.extract_strided_slice %slice3A {offsets = [0, 3968], sizes = [2048, 128], strides = [1, 1]} : vector<2048x4096xf32> to vector<2048x128xf32>
    %lt3A_194 = arith.cmpf olt, %slice3A_193, %min3A_192 : vector<2048x128xf32>
    %jit3A_195 = arith.constant 3.100000e+01 : f32
    %broadcast_in_dim3A_196 = vector.broadcast %jit3A_195 : f32 to vector<2048x128xf32>
    %select_n3A_197 = arith.select %lt3A_194, %broadcast_in_dim3A_196, %select_n3A_191 : vector<2048x128xi1>, vector<2048x128xf32>
    %min3A_198 = arith.minimumf %min3A_192, %slice3A_193 : vector<2048x128xf32>
    %reduce_min3A = arith.constant dense<0x7F800000> : vector<2048xf32>
    %reduce_min3A_199 = vector.multi_reduction <minimumf>, %min3A_198, %reduce_min3A [1] : vector<2048x128xf32> to vector<2048xf32>
    %broadcast_in_dim3A_200 = vector.shape_cast %reduce_min3A_199 : vector<2048xf32> to vector<2048x1xf32>
    %iota3A = tpu.iota {dimensions = array<i32: 1>} : vector<2048x128xi32>
    %convert_element_type3A = arith.sitofp %iota3A : vector<2048x128xi32> to vector<2048x128xf32>
    %eq3A = vector.broadcast %broadcast_in_dim3A_200 : vector<2048x1xf32> to vector<2048x128xf32>
    %eq3A_201 = arith.cmpf oeq, %min3A_198, %eq3A : vector<2048x128xf32>
    %mul3A = arith.constant 1.280000e+02 : f32
    %mul3A_202 = vector.broadcast %mul3A : f32 to vector<2048x128xf32>
    %mul3A_203 = arith.mulf %select_n3A_197, %mul3A_202 : vector<2048x128xf32>
    %add3A_204 = arith.addf %mul3A_203, %convert_element_type3A : vector<2048x128xf32>
    %jit3A_205 = arith.constant 8.192000e+03 : f32
    %broadcast_in_dim3A_206 = vector.broadcast %jit3A_205 : f32 to vector<2048x128xf32>
    %select_n3A_207 = arith.select %eq3A_201, %add3A_204, %broadcast_in_dim3A_206 : vector<2048x128xi1>, vector<2048x128xf32>
    %reduce_min3A_208 = arith.constant dense<0x7F800000> : vector<2048xf32>
    %reduce_min3A_209 = vector.multi_reduction <minimumf>, %select_n3A_207, %reduce_min3A_208 [1] : vector<2048x128xf32> to vector<2048xf32>
    %broadcast_in_dim3A_210 = vector.shape_cast %reduce_min3A_209 : vector<2048xf32> to vector<2048x1xf32>
    %slice3A_211 = vector.extract_strided_slice %add3A_14 {offsets = [0, 4096], sizes = [2048, 4096], strides = [1, 1]} : vector<2048x8192xf32> to vector<2048x4096xf32>
    %slice3A_212 = vector.extract_strided_slice %slice3A_211 {offsets = [0, 0], sizes = [2048, 128], strides = [1, 1]} : vector<2048x4096xf32> to vector<2048x128xf32>
    %broadcast_in_dim3A_213 = arith.constant 0.000000e+00 : f32
    %broadcast_in_dim3A_214 = vector.broadcast %broadcast_in_dim3A_213 : f32 to vector<2048x128xf32>
    %slice3A_215 = vector.extract_strided_slice %slice3A_211 {offsets = [0, 128], sizes = [2048, 128], strides = [1, 1]} : vector<2048x4096xf32> to vector<2048x128xf32>
    %lt3A_216 = arith.cmpf olt, %slice3A_215, %slice3A_212 : vector<2048x128xf32>
    %jit3A_217 = arith.constant 1.000000e+00 : f32
    %broadcast_in_dim3A_218 = vector.broadcast %jit3A_217 : f32 to vector<2048x128xf32>
    %select_n3A_219 = arith.select %lt3A_216, %broadcast_in_dim3A_218, %broadcast_in_dim3A_214 : vector<2048x128xi1>, vector<2048x128xf32>
    %min3A_220 = arith.minimumf %slice3A_212, %slice3A_215 : vector<2048x128xf32>
    %slice3A_221 = vector.extract_strided_slice %slice3A_211 {offsets = [0, 256], sizes = [2048, 128], strides = [1, 1]} : vector<2048x4096xf32> to vector<2048x128xf32>
    %lt3A_222 = arith.cmpf olt, %slice3A_221, %min3A_220 : vector<2048x128xf32>
    %jit3A_223 = arith.constant 2.000000e+00 : f32
    %broadcast_in_dim3A_224 = vector.broadcast %jit3A_223 : f32 to vector<2048x128xf32>
    %select_n3A_225 = arith.select %lt3A_222, %broadcast_in_dim3A_224, %select_n3A_219 : vector<2048x128xi1>, vector<2048x128xf32>
    %min3A_226 = arith.minimumf %min3A_220, %slice3A_221 : vector<2048x128xf32>
    %slice3A_227 = vector.extract_strided_slice %slice3A_211 {offsets = [0, 384], sizes = [2048, 128], strides = [1, 1]} : vector<2048x4096xf32> to vector<2048x128xf32>
    %lt3A_228 = arith.cmpf olt, %slice3A_227, %min3A_226 : vector<2048x128xf32>
    %jit3A_229 = arith.constant 3.000000e+00 : f32
    %broadcast_in_dim3A_230 = vector.broadcast %jit3A_229 : f32 to vector<2048x128xf32>
    %select_n3A_231 = arith.select %lt3A_228, %broadcast_in_dim3A_230, %select_n3A_225 : vector<2048x128xi1>, vector<2048x128xf32>
    %min3A_232 = arith.minimumf %min3A_226, %slice3A_227 : vector<2048x128xf32>
    %slice3A_233 = vector.extract_strided_slice %slice3A_211 {offsets = [0, 512], sizes = [2048, 128], strides = [1, 1]} : vector<2048x4096xf32> to vector<2048x128xf32>
    %lt3A_234 = arith.cmpf olt, %slice3A_233, %min3A_232 : vector<2048x128xf32>
    %jit3A_235 = arith.constant 4.000000e+00 : f32
    %broadcast_in_dim3A_236 = vector.broadcast %jit3A_235 : f32 to vector<2048x128xf32>
    %select_n3A_237 = arith.select %lt3A_234, %broadcast_in_dim3A_236, %select_n3A_231 : vector<2048x128xi1>, vector<2048x128xf32>
    %min3A_238 = arith.minimumf %min3A_232, %slice3A_233 : vector<2048x128xf32>
    %slice3A_239 = vector.extract_strided_slice %slice3A_211 {offsets = [0, 640], sizes = [2048, 128], strides = [1, 1]} : vector<2048x4096xf32> to vector<2048x128xf32>
    %lt3A_240 = arith.cmpf olt, %slice3A_239, %min3A_238 : vector<2048x128xf32>
    %jit3A_241 = arith.constant 5.000000e+00 : f32
    %broadcast_in_dim3A_242 = vector.broadcast %jit3A_241 : f32 to vector<2048x128xf32>
    %select_n3A_243 = arith.select %lt3A_240, %broadcast_in_dim3A_242, %select_n3A_237 : vector<2048x128xi1>, vector<2048x128xf32>
    %min3A_244 = arith.minimumf %min3A_238, %slice3A_239 : vector<2048x128xf32>
    %slice3A_245 = vector.extract_strided_slice %slice3A_211 {offsets = [0, 768], sizes = [2048, 128], strides = [1, 1]} : vector<2048x4096xf32> to vector<2048x128xf32>
    %lt3A_246 = arith.cmpf olt, %slice3A_245, %min3A_244 : vector<2048x128xf32>
    %jit3A_247 = arith.constant 6.000000e+00 : f32
    %broadcast_in_dim3A_248 = vector.broadcast %jit3A_247 : f32 to vector<2048x128xf32>
    %select_n3A_249 = arith.select %lt3A_246, %broadcast_in_dim3A_248, %select_n3A_243 : vector<2048x128xi1>, vector<2048x128xf32>
    %min3A_250 = arith.minimumf %min3A_244, %slice3A_245 : vector<2048x128xf32>
    %slice3A_251 = vector.extract_strided_slice %slice3A_211 {offsets = [0, 896], sizes = [2048, 128], strides = [1, 1]} : vector<2048x4096xf32> to vector<2048x128xf32>
    %lt3A_252 = arith.cmpf olt, %slice3A_251, %min3A_250 : vector<2048x128xf32>
    %jit3A_253 = arith.constant 7.000000e+00 : f32
    %broadcast_in_dim3A_254 = vector.broadcast %jit3A_253 : f32 to vector<2048x128xf32>
    %select_n3A_255 = arith.select %lt3A_252, %broadcast_in_dim3A_254, %select_n3A_249 : vector<2048x128xi1>, vector<2048x128xf32>
    %min3A_256 = arith.minimumf %min3A_250, %slice3A_251 : vector<2048x128xf32>
    %slice3A_257 = vector.extract_strided_slice %slice3A_211 {offsets = [0, 1024], sizes = [2048, 128], strides = [1, 1]} : vector<2048x4096xf32> to vector<2048x128xf32>
    %lt3A_258 = arith.cmpf olt, %slice3A_257, %min3A_256 : vector<2048x128xf32>
    %jit3A_259 = arith.constant 8.000000e+00 : f32
    %broadcast_in_dim3A_260 = vector.broadcast %jit3A_259 : f32 to vector<2048x128xf32>
    %select_n3A_261 = arith.select %lt3A_258, %broadcast_in_dim3A_260, %select_n3A_255 : vector<2048x128xi1>, vector<2048x128xf32>
    %min3A_262 = arith.minimumf %min3A_256, %slice3A_257 : vector<2048x128xf32>
    %slice3A_263 = vector.extract_strided_slice %slice3A_211 {offsets = [0, 1152], sizes = [2048, 128], strides = [1, 1]} : vector<2048x4096xf32> to vector<2048x128xf32>
    %lt3A_264 = arith.cmpf olt, %slice3A_263, %min3A_262 : vector<2048x128xf32>
    %jit3A_265 = arith.constant 9.000000e+00 : f32
    %broadcast_in_dim3A_266 = vector.broadcast %jit3A_265 : f32 to vector<2048x128xf32>
    %select_n3A_267 = arith.select %lt3A_264, %broadcast_in_dim3A_266, %select_n3A_261 : vector<2048x128xi1>, vector<2048x128xf32>
    %min3A_268 = arith.minimumf %min3A_262, %slice3A_263 : vector<2048x128xf32>
    %slice3A_269 = vector.extract_strided_slice %slice3A_211 {offsets = [0, 1280], sizes = [2048, 128], strides = [1, 1]} : vector<2048x4096xf32> to vector<2048x128xf32>
    %lt3A_270 = arith.cmpf olt, %slice3A_269, %min3A_268 : vector<2048x128xf32>
    %jit3A_271 = arith.constant 1.000000e+01 : f32
    %broadcast_in_dim3A_272 = vector.broadcast %jit3A_271 : f32 to vector<2048x128xf32>
    %select_n3A_273 = arith.select %lt3A_270, %broadcast_in_dim3A_272, %select_n3A_267 : vector<2048x128xi1>, vector<2048x128xf32>
    %min3A_274 = arith.minimumf %min3A_268, %slice3A_269 : vector<2048x128xf32>
    %slice3A_275 = vector.extract_strided_slice %slice3A_211 {offsets = [0, 1408], sizes = [2048, 128], strides = [1, 1]} : vector<2048x4096xf32> to vector<2048x128xf32>
    %lt3A_276 = arith.cmpf olt, %slice3A_275, %min3A_274 : vector<2048x128xf32>
    %jit3A_277 = arith.constant 1.100000e+01 : f32
    %broadcast_in_dim3A_278 = vector.broadcast %jit3A_277 : f32 to vector<2048x128xf32>
    %select_n3A_279 = arith.select %lt3A_276, %broadcast_in_dim3A_278, %select_n3A_273 : vector<2048x128xi1>, vector<2048x128xf32>
    %min3A_280 = arith.minimumf %min3A_274, %slice3A_275 : vector<2048x128xf32>
    %slice3A_281 = vector.extract_strided_slice %slice3A_211 {offsets = [0, 1536], sizes = [2048, 128], strides = [1, 1]} : vector<2048x4096xf32> to vector<2048x128xf32>
    %lt3A_282 = arith.cmpf olt, %slice3A_281, %min3A_280 : vector<2048x128xf32>
    %jit3A_283 = arith.constant 1.200000e+01 : f32
    %broadcast_in_dim3A_284 = vector.broadcast %jit3A_283 : f32 to vector<2048x128xf32>
    %select_n3A_285 = arith.select %lt3A_282, %broadcast_in_dim3A_284, %select_n3A_279 : vector<2048x128xi1>, vector<2048x128xf32>
    %min3A_286 = arith.minimumf %min3A_280, %slice3A_281 : vector<2048x128xf32>
    %slice3A_287 = vector.extract_strided_slice %slice3A_211 {offsets = [0, 1664], sizes = [2048, 128], strides = [1, 1]} : vector<2048x4096xf32> to vector<2048x128xf32>
    %lt3A_288 = arith.cmpf olt, %slice3A_287, %min3A_286 : vector<2048x128xf32>
    %jit3A_289 = arith.constant 1.300000e+01 : f32
    %broadcast_in_dim3A_290 = vector.broadcast %jit3A_289 : f32 to vector<2048x128xf32>
    %select_n3A_291 = arith.select %lt3A_288, %broadcast_in_dim3A_290, %select_n3A_285 : vector<2048x128xi1>, vector<2048x128xf32>
    %min3A_292 = arith.minimumf %min3A_286, %slice3A_287 : vector<2048x128xf32>
    %slice3A_293 = vector.extract_strided_slice %slice3A_211 {offsets = [0, 1792], sizes = [2048, 128], strides = [1, 1]} : vector<2048x4096xf32> to vector<2048x128xf32>
    %lt3A_294 = arith.cmpf olt, %slice3A_293, %min3A_292 : vector<2048x128xf32>
    %jit3A_295 = arith.constant 1.400000e+01 : f32
    %broadcast_in_dim3A_296 = vector.broadcast %jit3A_295 : f32 to vector<2048x128xf32>
    %select_n3A_297 = arith.select %lt3A_294, %broadcast_in_dim3A_296, %select_n3A_291 : vector<2048x128xi1>, vector<2048x128xf32>
    %min3A_298 = arith.minimumf %min3A_292, %slice3A_293 : vector<2048x128xf32>
    %slice3A_299 = vector.extract_strided_slice %slice3A_211 {offsets = [0, 1920], sizes = [2048, 128], strides = [1, 1]} : vector<2048x4096xf32> to vector<2048x128xf32>
    %lt3A_300 = arith.cmpf olt, %slice3A_299, %min3A_298 : vector<2048x128xf32>
    %jit3A_301 = arith.constant 1.500000e+01 : f32
    %broadcast_in_dim3A_302 = vector.broadcast %jit3A_301 : f32 to vector<2048x128xf32>
    %select_n3A_303 = arith.select %lt3A_300, %broadcast_in_dim3A_302, %select_n3A_297 : vector<2048x128xi1>, vector<2048x128xf32>
    %min3A_304 = arith.minimumf %min3A_298, %slice3A_299 : vector<2048x128xf32>
    %slice3A_305 = vector.extract_strided_slice %slice3A_211 {offsets = [0, 2048], sizes = [2048, 128], strides = [1, 1]} : vector<2048x4096xf32> to vector<2048x128xf32>
    %lt3A_306 = arith.cmpf olt, %slice3A_305, %min3A_304 : vector<2048x128xf32>
    %jit3A_307 = arith.constant 1.600000e+01 : f32
    %broadcast_in_dim3A_308 = vector.broadcast %jit3A_307 : f32 to vector<2048x128xf32>
    %select_n3A_309 = arith.select %lt3A_306, %broadcast_in_dim3A_308, %select_n3A_303 : vector<2048x128xi1>, vector<2048x128xf32>
    %min3A_310 = arith.minimumf %min3A_304, %slice3A_305 : vector<2048x128xf32>
    %slice3A_311 = vector.extract_strided_slice %slice3A_211 {offsets = [0, 2176], sizes = [2048, 128], strides = [1, 1]} : vector<2048x4096xf32> to vector<2048x128xf32>
    %lt3A_312 = arith.cmpf olt, %slice3A_311, %min3A_310 : vector<2048x128xf32>
    %jit3A_313 = arith.constant 1.700000e+01 : f32
    %broadcast_in_dim3A_314 = vector.broadcast %jit3A_313 : f32 to vector<2048x128xf32>
    %select_n3A_315 = arith.select %lt3A_312, %broadcast_in_dim3A_314, %select_n3A_309 : vector<2048x128xi1>, vector<2048x128xf32>
    %min3A_316 = arith.minimumf %min3A_310, %slice3A_311 : vector<2048x128xf32>
    %slice3A_317 = vector.extract_strided_slice %slice3A_211 {offsets = [0, 2304], sizes = [2048, 128], strides = [1, 1]} : vector<2048x4096xf32> to vector<2048x128xf32>
    %lt3A_318 = arith.cmpf olt, %slice3A_317, %min3A_316 : vector<2048x128xf32>
    %jit3A_319 = arith.constant 1.800000e+01 : f32
    %broadcast_in_dim3A_320 = vector.broadcast %jit3A_319 : f32 to vector<2048x128xf32>
    %select_n3A_321 = arith.select %lt3A_318, %broadcast_in_dim3A_320, %select_n3A_315 : vector<2048x128xi1>, vector<2048x128xf32>
    %min3A_322 = arith.minimumf %min3A_316, %slice3A_317 : vector<2048x128xf32>
    %slice3A_323 = vector.extract_strided_slice %slice3A_211 {offsets = [0, 2432], sizes = [2048, 128], strides = [1, 1]} : vector<2048x4096xf32> to vector<2048x128xf32>
    %lt3A_324 = arith.cmpf olt, %slice3A_323, %min3A_322 : vector<2048x128xf32>
    %jit3A_325 = arith.constant 1.900000e+01 : f32
    %broadcast_in_dim3A_326 = vector.broadcast %jit3A_325 : f32 to vector<2048x128xf32>
    %select_n3A_327 = arith.select %lt3A_324, %broadcast_in_dim3A_326, %select_n3A_321 : vector<2048x128xi1>, vector<2048x128xf32>
    %min3A_328 = arith.minimumf %min3A_322, %slice3A_323 : vector<2048x128xf32>
    %slice3A_329 = vector.extract_strided_slice %slice3A_211 {offsets = [0, 2560], sizes = [2048, 128], strides = [1, 1]} : vector<2048x4096xf32> to vector<2048x128xf32>
    %lt3A_330 = arith.cmpf olt, %slice3A_329, %min3A_328 : vector<2048x128xf32>
    %jit3A_331 = arith.constant 2.000000e+01 : f32
    %broadcast_in_dim3A_332 = vector.broadcast %jit3A_331 : f32 to vector<2048x128xf32>
    %select_n3A_333 = arith.select %lt3A_330, %broadcast_in_dim3A_332, %select_n3A_327 : vector<2048x128xi1>, vector<2048x128xf32>
    %min3A_334 = arith.minimumf %min3A_328, %slice3A_329 : vector<2048x128xf32>
    %slice3A_335 = vector.extract_strided_slice %slice3A_211 {offsets = [0, 2688], sizes = [2048, 128], strides = [1, 1]} : vector<2048x4096xf32> to vector<2048x128xf32>
    %lt3A_336 = arith.cmpf olt, %slice3A_335, %min3A_334 : vector<2048x128xf32>
    %jit3A_337 = arith.constant 2.100000e+01 : f32
    %broadcast_in_dim3A_338 = vector.broadcast %jit3A_337 : f32 to vector<2048x128xf32>
    %select_n3A_339 = arith.select %lt3A_336, %broadcast_in_dim3A_338, %select_n3A_333 : vector<2048x128xi1>, vector<2048x128xf32>
    %min3A_340 = arith.minimumf %min3A_334, %slice3A_335 : vector<2048x128xf32>
    %slice3A_341 = vector.extract_strided_slice %slice3A_211 {offsets = [0, 2816], sizes = [2048, 128], strides = [1, 1]} : vector<2048x4096xf32> to vector<2048x128xf32>
    %lt3A_342 = arith.cmpf olt, %slice3A_341, %min3A_340 : vector<2048x128xf32>
    %jit3A_343 = arith.constant 2.200000e+01 : f32
    %broadcast_in_dim3A_344 = vector.broadcast %jit3A_343 : f32 to vector<2048x128xf32>
    %select_n3A_345 = arith.select %lt3A_342, %broadcast_in_dim3A_344, %select_n3A_339 : vector<2048x128xi1>, vector<2048x128xf32>
    %min3A_346 = arith.minimumf %min3A_340, %slice3A_341 : vector<2048x128xf32>
    %slice3A_347 = vector.extract_strided_slice %slice3A_211 {offsets = [0, 2944], sizes = [2048, 128], strides = [1, 1]} : vector<2048x4096xf32> to vector<2048x128xf32>
    %lt3A_348 = arith.cmpf olt, %slice3A_347, %min3A_346 : vector<2048x128xf32>
    %jit3A_349 = arith.constant 2.300000e+01 : f32
    %broadcast_in_dim3A_350 = vector.broadcast %jit3A_349 : f32 to vector<2048x128xf32>
    %select_n3A_351 = arith.select %lt3A_348, %broadcast_in_dim3A_350, %select_n3A_345 : vector<2048x128xi1>, vector<2048x128xf32>
    %min3A_352 = arith.minimumf %min3A_346, %slice3A_347 : vector<2048x128xf32>
    %slice3A_353 = vector.extract_strided_slice %slice3A_211 {offsets = [0, 3072], sizes = [2048, 128], strides = [1, 1]} : vector<2048x4096xf32> to vector<2048x128xf32>
    %lt3A_354 = arith.cmpf olt, %slice3A_353, %min3A_352 : vector<2048x128xf32>
    %jit3A_355 = arith.constant 2.400000e+01 : f32
    %broadcast_in_dim3A_356 = vector.broadcast %jit3A_355 : f32 to vector<2048x128xf32>
    %select_n3A_357 = arith.select %lt3A_354, %broadcast_in_dim3A_356, %select_n3A_351 : vector<2048x128xi1>, vector<2048x128xf32>
    %min3A_358 = arith.minimumf %min3A_352, %slice3A_353 : vector<2048x128xf32>
    %slice3A_359 = vector.extract_strided_slice %slice3A_211 {offsets = [0, 3200], sizes = [2048, 128], strides = [1, 1]} : vector<2048x4096xf32> to vector<2048x128xf32>
    %lt3A_360 = arith.cmpf olt, %slice3A_359, %min3A_358 : vector<2048x128xf32>
    %jit3A_361 = arith.constant 2.500000e+01 : f32
    %broadcast_in_dim3A_362 = vector.broadcast %jit3A_361 : f32 to vector<2048x128xf32>
    %select_n3A_363 = arith.select %lt3A_360, %broadcast_in_dim3A_362, %select_n3A_357 : vector<2048x128xi1>, vector<2048x128xf32>
    %min3A_364 = arith.minimumf %min3A_358, %slice3A_359 : vector<2048x128xf32>
    %slice3A_365 = vector.extract_strided_slice %slice3A_211 {offsets = [0, 3328], sizes = [2048, 128], strides = [1, 1]} : vector<2048x4096xf32> to vector<2048x128xf32>
    %lt3A_366 = arith.cmpf olt, %slice3A_365, %min3A_364 : vector<2048x128xf32>
    %jit3A_367 = arith.constant 2.600000e+01 : f32
    %broadcast_in_dim3A_368 = vector.broadcast %jit3A_367 : f32 to vector<2048x128xf32>
    %select_n3A_369 = arith.select %lt3A_366, %broadcast_in_dim3A_368, %select_n3A_363 : vector<2048x128xi1>, vector<2048x128xf32>
    %min3A_370 = arith.minimumf %min3A_364, %slice3A_365 : vector<2048x128xf32>
    %slice3A_371 = vector.extract_strided_slice %slice3A_211 {offsets = [0, 3456], sizes = [2048, 128], strides = [1, 1]} : vector<2048x4096xf32> to vector<2048x128xf32>
    %lt3A_372 = arith.cmpf olt, %slice3A_371, %min3A_370 : vector<2048x128xf32>
    %jit3A_373 = arith.constant 2.700000e+01 : f32
    %broadcast_in_dim3A_374 = vector.broadcast %jit3A_373 : f32 to vector<2048x128xf32>
    %select_n3A_375 = arith.select %lt3A_372, %broadcast_in_dim3A_374, %select_n3A_369 : vector<2048x128xi1>, vector<2048x128xf32>
    %min3A_376 = arith.minimumf %min3A_370, %slice3A_371 : vector<2048x128xf32>
    %slice3A_377 = vector.extract_strided_slice %slice3A_211 {offsets = [0, 3584], sizes = [2048, 128], strides = [1, 1]} : vector<2048x4096xf32> to vector<2048x128xf32>
    %lt3A_378 = arith.cmpf olt, %slice3A_377, %min3A_376 : vector<2048x128xf32>
    %jit3A_379 = arith.constant 2.800000e+01 : f32
    %broadcast_in_dim3A_380 = vector.broadcast %jit3A_379 : f32 to vector<2048x128xf32>
    %select_n3A_381 = arith.select %lt3A_378, %broadcast_in_dim3A_380, %select_n3A_375 : vector<2048x128xi1>, vector<2048x128xf32>
    %min3A_382 = arith.minimumf %min3A_376, %slice3A_377 : vector<2048x128xf32>
    %slice3A_383 = vector.extract_strided_slice %slice3A_211 {offsets = [0, 3712], sizes = [2048, 128], strides = [1, 1]} : vector<2048x4096xf32> to vector<2048x128xf32>
    %lt3A_384 = arith.cmpf olt, %slice3A_383, %min3A_382 : vector<2048x128xf32>
    %jit3A_385 = arith.constant 2.900000e+01 : f32
    %broadcast_in_dim3A_386 = vector.broadcast %jit3A_385 : f32 to vector<2048x128xf32>
    %select_n3A_387 = arith.select %lt3A_384, %broadcast_in_dim3A_386, %select_n3A_381 : vector<2048x128xi1>, vector<2048x128xf32>
    %min3A_388 = arith.minimumf %min3A_382, %slice3A_383 : vector<2048x128xf32>
    %slice3A_389 = vector.extract_strided_slice %slice3A_211 {offsets = [0, 3840], sizes = [2048, 128], strides = [1, 1]} : vector<2048x4096xf32> to vector<2048x128xf32>
    %lt3A_390 = arith.cmpf olt, %slice3A_389, %min3A_388 : vector<2048x128xf32>
    %jit3A_391 = arith.constant 3.000000e+01 : f32
    %broadcast_in_dim3A_392 = vector.broadcast %jit3A_391 : f32 to vector<2048x128xf32>
    %select_n3A_393 = arith.select %lt3A_390, %broadcast_in_dim3A_392, %select_n3A_387 : vector<2048x128xi1>, vector<2048x128xf32>
    %min3A_394 = arith.minimumf %min3A_388, %slice3A_389 : vector<2048x128xf32>
    %slice3A_395 = vector.extract_strided_slice %slice3A_211 {offsets = [0, 3968], sizes = [2048, 128], strides = [1, 1]} : vector<2048x4096xf32> to vector<2048x128xf32>
    %lt3A_396 = arith.cmpf olt, %slice3A_395, %min3A_394 : vector<2048x128xf32>
    %jit3A_397 = arith.constant 3.100000e+01 : f32
    %broadcast_in_dim3A_398 = vector.broadcast %jit3A_397 : f32 to vector<2048x128xf32>
    %select_n3A_399 = arith.select %lt3A_396, %broadcast_in_dim3A_398, %select_n3A_393 : vector<2048x128xi1>, vector<2048x128xf32>
    %min3A_400 = arith.minimumf %min3A_394, %slice3A_395 : vector<2048x128xf32>
    %reduce_min3A_401 = arith.constant dense<0x7F800000> : vector<2048xf32>
    %reduce_min3A_402 = vector.multi_reduction <minimumf>, %min3A_400, %reduce_min3A_401 [1] : vector<2048x128xf32> to vector<2048xf32>
    %broadcast_in_dim3A_403 = vector.shape_cast %reduce_min3A_402 : vector<2048xf32> to vector<2048x1xf32>
    %iota3A_404 = tpu.iota {dimensions = array<i32: 1>} : vector<2048x128xi32>
    %convert_element_type3A_405 = arith.sitofp %iota3A_404 : vector<2048x128xi32> to vector<2048x128xf32>
    %eq3A_406 = vector.broadcast %broadcast_in_dim3A_403 : vector<2048x1xf32> to vector<2048x128xf32>
    %eq3A_407 = arith.cmpf oeq, %min3A_400, %eq3A_406 : vector<2048x128xf32>
    %mul3A_408 = arith.constant 1.280000e+02 : f32
    %mul3A_409 = vector.broadcast %mul3A_408 : f32 to vector<2048x128xf32>
    %mul3A_410 = arith.mulf %select_n3A_399, %mul3A_409 : vector<2048x128xf32>
    %add3A_411 = arith.addf %mul3A_410, %convert_element_type3A_405 : vector<2048x128xf32>
    %jit3A_412 = arith.constant 8.192000e+03 : f32
    %broadcast_in_dim3A_413 = vector.broadcast %jit3A_412 : f32 to vector<2048x128xf32>
    %select_n3A_414 = arith.select %eq3A_407, %add3A_411, %broadcast_in_dim3A_413 : vector<2048x128xi1>, vector<2048x128xf32>
    %reduce_min3A_415 = arith.constant dense<0x7F800000> : vector<2048xf32>
    %reduce_min3A_416 = vector.multi_reduction <minimumf>, %select_n3A_414, %reduce_min3A_415 [1] : vector<2048x128xf32> to vector<2048xf32>
    %broadcast_in_dim3A_417 = vector.shape_cast %reduce_min3A_416 : vector<2048xf32> to vector<2048x1xf32>
    %convert_element_type3A_418 = arith.truncf %broadcast_in_dim3A_200 : vector<2048x1xf32> to vector<2048x1xbf16>
    %convert_element_type3A_419 = arith.extf %convert_element_type3A_418 : vector<2048x1xbf16> to vector<2048x1xf32>
    %le3A = arith.cmpf ole, %convert_element_type3A_419, %broadcast_in_dim3A_403 : vector<2048x1xf32>
    %add3A_420 = arith.constant 4.096000e+03 : f32
    %add3A_421 = vector.broadcast %add3A_420 : f32 to vector<2048x1xf32>
    %add3A_422 = arith.addf %broadcast_in_dim3A_417, %add3A_421 : vector<2048x1xf32>
    %select_n3A_423 = arith.select %le3A, %broadcast_in_dim3A_210, %add3A_422 : vector<2048x1xi1>, vector<2048x1xf32>
    %convert_element_type3A_424 = arith.fptosi %select_n3A_423 : vector<2048x1xf32> to vector<2048x1xi32>
    %swap3A = arith.constant 0 : index
    %swap3A_425 = arith.constant 0 : index
    %swap3A_426 = vector.load %arg5[%swap3A, %swap3A_425] : memref<2048x1xi32, #tpu.memory_space<vmem>>, vector<2048x1xi32>
    tpu.vector_store %arg5[%swap3A, %swap3A_425], %convert_element_type3A_424 {strides = array<i32>} : memref<2048x1xi32, #tpu.memory_space<vmem>>, vector<2048x1xi32>,
    return
  }
  func.func @transform_0(%arg0: i32) -> (i32, i32) {
    %c0_i32 = arith.constant 0 : i32
    %c0_i32_0 = arith.constant 0 : i32
    return %arg0, %c0_i32 : i32, i32
  }
  func.func @transform_1(%arg0: i32) -> (i32, i32) {
    %c0_i32 = arith.constant 0 : i32
    %c0_i32_0 = arith.constant 0 : i32
    %c0_i32_1 = arith.constant 0 : i32
    return %c0_i32, %c0_i32_0 : i32, i32
  }
  func.func @transform_2(%arg0: i32) -> (i32, i32) {
    %c0_i32 = arith.constant 0 : i32
    %c0_i32_0 = arith.constant 0 : i32
    return %arg0, %c0_i32 : i32, i32
  }
  func.func @transform_3(%arg0: i32) -> (i32, i32) {
    %c0_i32 = arith.constant 0 : i32
    %c0_i32_0 = arith.constant 0 : i32
    %c0_i32_1 = arith.constant 0 : i32
    return %c0_i32, %c0_i32_0 : i32, i32
  }
  func.func @transform_4(%arg0: i32) -> (i32, i32) {
    %c0_i32 = arith.constant 0 : i32
    %c0_i32_0 = arith.constant 0 : i32
    return %arg0, %c0_i32 : i32, i32
  }
}

</mosaic_0001>

<sc_bundles>
// kernel: kernel.4.cloned.1.call-start
scs
__scs_entry_jumppad:
0x0: {  	(pc) =	sbr.rel $0x88, $3  }
0x1: {  	(tag) =	ssettag $0x0;
	lr =	simm.s32 $0x1  }
0x2: {  	[smem:$0x3F9F] =	sst lr;
	_ =	strace $0xD0000000  }
0x3: {  	_ = 	snop  }
0x4: {  	_ = 	snop  }
0x5: {  	_ = 	snop  }
0x6: {  	_ = 	snop  }
0x7: {  	_ = 	snop  }
__scs_overlays_trampoline_lowered:
0x8: {  	[smem:$0x3FAE] =	sst s0  }
0x9: {  	[smem:$0x3FAF] =	sst s1  }
0xa: {  	[smem:$0x3FB0] =	sst s2  }
0xb: {  	[smem:$0x3FB1] =	sst s3  }
0xc: {  	[smem:$0x3FB2] =	sst s4  }
0xd: {  	[smem:$0x3FB3] =	sst s5  }
0xe: {  	[smem:$0x3FB4] =	sst s6  }
0xf: {  	[smem:$0x3FB5] =	sst s7  }
0x10: {  	[smem:$0x3FB6] =	sst s8  }
0x11: {  	[smem:$0x3FB7] =	sst s9;
	s0 =	simm.s32 @!p0 $0x0  }
0x12: {  	s1 =	sld [smem:$0x3F9D];
	s0 =	simm.s32 @p0 $0x1  }
0x13: {  	[smem:$0x3FB8] =	sst s0;
	s0 =	simm.s32 @!p1 $0x0  }
0x14: {  	s2 =	sld [smem:$0x3F9C];
	s0 =	simm.s32 @p1 $0x1  }
0x15: {  	[smem:$0x3FB9] =	sst s0;
	s0 =	simm.s32 @!p2 $0x0  }
0x16: {  	s3 =	sld [smem:$0x3FDB];
	s0 =	simm.s32 @p2 $0x1  }
0x17: {  	s4 =	simm.s32 $0x1BF5;
	[smem:$0x3FBB] =	sst s0  }
0x18: {  	s0 =	sld [smem:$0x3F9E];
	_ =	swait.ge [sflag:s4], $0x0  }
0x19: {  	s7 =	sld [smem:$0x3F9F]  }
0x1a: {  	s8 =	sadd.s32 $0xFFFFE003, lr  }
0x1b: {  	s9 =	sadd.s32 $0xFFFFFEF7, lr;
	s5 =	simm.s32 $0xFFFFFFFF;
	p2 =	slt.u32 s8, $0xFFFFF086  }
0x1c: {  	p1 =	slt.u32 s9, $0xF7A;
	s5 =	simm.s32 @!p2 $0x0  }
0x1d: {  	s5 =	simm.s32 @p1 $0x1;
	p0 =	seq.s32 s7, s2  }
0x1e: {  	s7 =	smul.u32 @!p0 $0xF7A, s2;
	p2 =	seq.s32 @!p0 s5, $0x0  }
0x1f: {  	s9 =	smul.u32 $0xF7A, s1;
	s8 =	simm.s32 @!p0 $0x1BF5;
	p2 =	por !p2, p0  }
0x20: {  	[sflag:s8] =	ssyncset.s32 @!p0 $0xFFFFF086;
	s6 =	sadd.s32 @!p0 s3, s7;
	s7 =	simm.s32 @!p0 $0x108  }
0x21: {  	s3 =	sadd.s32 s3, s9;
	s6 =	sadd.s32 @!p0 $0x88, s6;
	s7 =	simm.s32 @p2 $0x1082  }
0x22: {  	[simem:s7], [sflag:s8] =	dma.local @!p0 [hbm:s6], $0xF7A  }
0x23: {  	s9 =	sor.u32 $0xD0000000, s2;
	s6 =	simm.s32 $0x108;
	_ =	swait.ge @!p0 [sflag:s8], $0x0  }
0x24: {  	s3 =	sadd.s32 $0x88, s3;
	s6 =	simm.s32 @!p1 $0x1082;
	[sflag:s4] =	ssyncset.s32 $0xFFFFF086  }
0x25: {  	[simem:s6], [sflag:s4] =	dma.local [hbm:s3], $0xF7A  }
0x26: {  	[smem:$0x3F9F] =	sst s1;
	(tag) =	ssettag s2;
	_ =	strace s9  }
0x27: {  	s1 =	sld [smem:$0x3FAF]  }
0x28: {  	s2 =	sld [smem:$0x3FB0]  }
0x29: {  	s4 =	sld [smem:$0x3FB2]  }
0x2a: {  	p0 =	seq.s32 s5, $0x0;
	s5 =	sld [smem:$0x3FB3]  }
0x2b: {  	s6 =	sld [smem:$0x3FB4]  }
0x2c: {  	s7 =	sld [smem:$0x3FB5]  }
0x2d: {  	s3 =	simm.s32 $0x108;
	s8 =	sld [smem:$0x3FB6]  }
0x2e: {  	s3 =	simm.s32 @!p0 $0x1082;
	s9 =	sld [smem:$0x3FB7]  }
0x2f: {  	lr =	sadd.s32 s0, s3;
	s0 =	sld [smem:$0x3FAE]  }
0x30: {  	s3 =	sld [smem:$0x3FB1]  }
0x31: {  	[smem:$0x3FBA] =	sst s10  }
0x32: {  	s10 =	sld [smem:$0x3FB8];
	_ =	sdelay $0x3  }
0x33: {  	p0 =	seq.s32 s10, $0x1;
	s10 =	sld [smem:$0x3FBA];
	_ =	sdelay $0x3  }
0x34: {  	[smem:$0x3FBA] =	sst s10  }
0x35: {  	s10 =	sld [smem:$0x3FB9];
	_ =	sdelay $0x3  }
0x36: {  	p1 =	seq.s32 s10, $0x1;
	s10 =	sld [smem:$0x3FBA];
	_ =	sdelay $0x3  }
0x37: {  	[smem:$0x3FBA] =	sst s10  }
0x38: {  	s10 =	sld [smem:$0x3FBB]  }
0x39: {  	_ = 	snop;
	(pc) =	sbr.ind lr, $3  }
0x3a: {  	_ = 	snop  }
0x3b: {  	_ = 	snop  }
0x3c: {  	p2 =	seq.s32 s10, $0x1;
	s10 =	sld [smem:$0x3FBA]  }
0x3d: {  	_ =	shalt  }
0x3e: {  	_ =	shalt  }
0x3f: {  	_ =	shalt  }
0x40: {  	_ =	shalt  }
0x41: {  	_ =	shalt  }
0x42: {  	_ =	shalt  }
0x43: {  	_ =	shalt  }
0x44: {  	_ =	shalt  }
0x45: {  	_ =	shalt  }
0x46: {  	_ =	shalt  }
0x47: {  	_ =	shalt  }
0x48: {  	_ =	shalt  }
0x49: {  	_ =	shalt  }
0x4a: {  	_ =	shalt  }
0x4b: {  	_ =	shalt  }
0x4c: {  	_ =	shalt  }
0x4d: {  	_ =	shalt  }
0x4e: {  	_ =	shalt  }
0x4f: {  	_ =	shalt  }
0x50: {  	_ =	shalt  }
0x51: {  	_ =	shalt  }
0x52: {  	_ =	shalt  }
0x53: {  	_ =	shalt  }
0x54: {  	_ =	shalt  }
0x55: {  	_ =	shalt  }
0x56: {  	_ =	shalt  }
0x57: {  	_ =	shalt  }
0x58: {  	_ =	shalt  }
0x59: {  	_ =	shalt  }
0x5a: {  	_ =	shalt  }
0x5b: {  	_ =	shalt  }
0x5c: {  	_ =	shalt  }
0x5d: {  	_ =	shalt  }
0x5e: {  	_ =	shalt  }
0x5f: {  	_ =	shalt  }
0x60: {  	_ =	shalt  }
0x61: {  	_ =	shalt  }
0x62: {  	_ =	shalt  }
0x63: {  	_ =	shalt  }
0x64: {  	_ =	shalt  }
0x65: {  	_ =	shalt  }
0x66: {  	_ =	shalt  }
0x67: {  	_ =	shalt  }
0x68: {  	_ =	shalt  }
0x69: {  	_ =	shalt  }
0x6a: {  	_ =	shalt  }
0x6b: {  	_ =	shalt  }
0x6c: {  	_ =	shalt  }
0x6d: {  	_ =	shalt  }
0x6e: {  	_ =	shalt  }
0x6f: {  	_ =	shalt  }
0x70: {  	_ =	shalt  }
0x71: {  	_ =	shalt  }
0x72: {  	_ =	shalt  }
0x73: {  	_ =	shalt  }
0x74: {  	_ =	shalt  }
0x75: {  	_ =	shalt  }
0x76: {  	_ =	shalt  }
0x77: {  	_ =	shalt  }
0x78: {  	_ =	shalt  }
0x79: {  	_ =	shalt  }
0x7a: {  	_ =	shalt  }
0x7b: {  	_ =	shalt  }
0x7c: {  	_ =	shalt  }
0x7d: {  	_ =	shalt  }
0x7e: {  	_ =	shalt  }
0x7f: {  	_ =	shalt  }
0x80: {  	_ =	shalt  }
0x81: {  	_ =	shalt  }
0x82: {  	_ =	shalt  }
0x83: {  	_ =	shalt  }
0x84: {  	_ =	shalt  }
0x85: {  	_ =	shalt  }
0x86: {  	_ =	shalt  }
0x87: {  	_ =	shalt  }
.Lfunc_end0:
.L_simem_size_0:
called_computation_lowered:
.L_overlay_start_0:
0x88: {  	s2 =	sld [smem:$0x3FD9]  }
0x89: {  	s3 =	sld [smem:$0x3FFE];
	_ =	sdelay $0x1  }
0x8a: {  	s1 =	srdreg.scid  }
0x8b: {  	s0 =	sand.u32 $0x1, s1  }
0x8c: {  	s14 =	sshll.u32 s0, $0xA;
	s2 =	sadd.s32 s3, s2  }
0x8d: {  	s2 =	sadd.s32 s2, s14  }
0x8e: {  	[smem:$0x3FC6] =	sst s2  }
0x8f: {  	_ = 	snop  }
0x90: {  	s2 =	sld [smem:$0x3FD0];
	_ =	sdelay $0x2  }
0x91: {  	s15 =	simm.s32 $0xA;
	s4 =	simm.s32 $0x10  }
0x92: {  	[smem:s4], [sflag:s15] =	dma.local [hbm:s2], $0x1  }
0x93: {  	_ =	swait.eq [sflag:s15], $0x1  }
0x94: {  	[sflag:s15] =	ssyncset.done $0x0  }
0x95: {  	s16 =	sld [smem:$0x10];
	[sflag:s15] =	ssyncadd.s32 $0xFFFFFFFF  }
0x96: {  	s17 =	sld [smem:$0x11];
	(tm) =	ssettm $0x1  }
0x97: {  	s18 =	sld [smem:$0x3FFB];
	_ =	sdelay $0x3  }
0x98: {  	_ =	strace s18  }
0x99: {  	s4 =	sld [smem:$0x3FFC];
	_ =	sdelay $0x3  }
0x9a: {  	_ =	strace s4  }
0x9b: {  	s4 =	sld [smem:$0x3FFD];
	_ =	sdelay $0x3  }
0x9c: {  	_ =	strace s4  }
0x9d: {  	_ =	strace $0x8FFFFFFF  }
0x9e: {  	s19 =	sld [smem:$0x3FDB];
	_ =	sdelay $0x1  }
0x9f: {  	s5 =	simm.s32 $_scs_section_size  }
0xa0: {  	s6 =	simm.s32 $_size__tile_overlayer_lowered;
	s7 =	simm.s32 $_tile_overlayer_lowered  }
0xa1: {  	s22 =	simm.s32 $0x1BFF;
	s21 =	sshll.u32 s7, $0x1;
	s4 =	sadd.s32 s5, s19  }
0xa2: {  	s8 =	simm.s32 $0x0;
	s20 =	sshll.u32 s6, $0x1;
	s6 =	sadd.s32 s21, s4  }
0xa3: {  	[timem:s8], [sflag:s22] =	dma.local [hbm:s6], s20  }
0xa4: {  	_ =	swait.ge [sflag:s22], s20  }
0xa5: {  	s5 =	ssub.s32 $0x0, s20;
	[sflag:s22] =	ssyncset.done $0x0  }
0xa6: {  	[sflag:s22] =	ssyncadd.s32 s5;
	_ =	sdelay $0x1  }
0xa7: {  	s23 =	simm.s32 $0x1B8B  }
0xa8: {  	_ =	swait.ge [sflag:s23], $0x1  }
0xa9: {  	[sflag:s23] =	ssyncset.done $0x0  }
0xaa: {  	s25 =	simm.s32 $0x1B8E;
	s24 =	sld [smem:$0x3FFE];
	[sflag:s23] =	ssyncadd.s32 $0xFFFFFFFF  }
0xab: {  	s26 =	simm.s32 $execute0_lowered;
	[smem:$0x3FD2] =	sst s25  }
0xac: {  	s6 =	sshll.u32 s26, $0x1;
	_ =	strace $0x80000046;
	[dreg:$0x1] =	wrdreg $0xFFFFFFFF  }
0xad: {  	s28 =	simm.s32 $_size_execute0_lowered;
	s4 =	sadd.s32 s4, s6;
	[dreg:$0x0] =	wrdreg $0x0  }
0xae: {  	s6 =	sshll.u32 s28, $0x1;
	[dreg:$0x2] =	wrdreg s4  }
0xaf: {  	[dreg:$0x3] =	wrdreg s6  }
0xb0: {  	[dreg:$0x4] =	wrdreg $0xC0  }
0xb1: {  	_ =	task [dreg:s8], $0x5FFFF  }
0xb2: {  	[dreg:$0x1] =	wrdreg $0xFFFFFFFF  }
0xb3: {  	[dreg:$0x0] =	wrdreg $0x60  }
0xb4: {  	[dreg:$0x2] =	wrdreg s24  }
0xb5: {  	[dreg:$0x3] =	wrdreg s17  }
0xb6: {  	[dreg:$0x4] =	wrdreg s16  }
0xb7: {  	[dreg:$0x5] =	wrdreg $0x9  }
0xb8: {  	_ =	task.clear_ibuf [dreg:s8], $0x6FFFF;
	_ =	strace $0x90000046  }
0xb9: {  	s29 =	simm.s32 $0x9;
	_ =	strace $0x80000048  }
0xba: {  	_ =	swait.ge [sflag:s29], $0x1  }
0xbb: {  	[sflag:s29] =	ssyncadd.s32 $0xFFFFFFFF  }
0xbc: {  	_ =	strace $0x90000048  }
0xbd: {  	_ =	sfence  }
0xbe: {  	s30 =	sld [smem:$0x0];
	_ =	sdelay $0x2  }
0xbf: {  	s31 =	sshll.u32 s1, $0xD;
	s1 =	sshrl.u32 s1, $0x2  }
0xc0: {  	s3 =	sand.u32 $0x4000, s31;
	s1 =	sadd.s32 s1, s30  }
0xc1: {  	s0 =	sor.u32 s3, s0;
	s1 =	sshll.u32 s1, $0x11  }
0xc2: {  	s0 =	sor.u32 s1, s0  }
0xc3: {  	s0 =	sadd.s32 $0x8F2B, s0  }
0xc4: {  	[sflag:s0] =	ssyncadd.remote.s32 $0x1  }
0xc5: {  	_ =	sfence.sel $0xFFFF  }
0xc6: {  	[dreg:$0x0] =	wrdreg $0xFFFFFFFF;
	(pc) =	sbr.abs _section_cstart, $3  }
0xc7: {  	[dreg:$0x1] =	wrdreg $0xFFFFFFFF  }
0xc8: {  	_ =	task.clear_ibuf [dreg:s8], $0x2FFFF;
	_ =	strace $0x9FFFFFFF  }
0xc9: {  	(tm) =	ssettm $0x7FFFFFFF  }
tec
execute0_lowered:
.L_overlay_start_1:
0x0: {  	(tag) =	ssettag $0x1  }
0x1: {  	s5 =	rddreg [dreg:$0x0]  }
0x2: {  	s3 =	rddreg [dreg:$0x1]  }
0x3: {  	s1 =	srdreg.scid;
	s0 =	stileid.u32  }
0x4: {  	s14 =	rddreg [dreg:$0x2];
	s15 =	sand.u32 $0x1, s1;
	s4 =	sshll.u32 s0, $0x1  }
0x5: {  	s2 =	simm.s32 $0x0;
	s1 =	rddreg [dreg:$0x3];
	s16 =	sor.u32 s15, s4  }
0x6: {  	[smem:$0x7FF] =	sst s2;
	s4 =	sshll.u32 s16, $0x6  }
0x7: {  	_ =	strace $0x80000047;
	s4 =	sadd.s32 s3, s4;
	s3 =	simm.s32 $0x2  }
0x8: {  	[tilespmem:s2], [sflag:$0x2] =	stream.linear.gather [hbm4b:s4+s2], $0x200, $0x38;
	[tilespmem:$0x4200] =	vst v63  }
0x9: {  	_ =	swait.ge [sflag:s3], $0x200  }
0xa: {  	s6 =	simm.s32 $0x80;
	[sflag:s3] =	ssyncset.done $0x0  }
0xb: {  	s7 =	simm.s32 $0x200;
	s5 =	sadd.s32 $0x40000, s5;
	[sflag:s3] =	ssyncadd.s32 $0xFFFFFE00  }
0xc: {  	[tilespmem:s7], [sflag:$0x1] =	stream.indirect.gather [hbm4b:s5+s6], $0x20, s2, s6, $0xb8;
	[tilespmem:$0x4200] =	vst v63  }
0xd: {  	s8 =	simm.s32 $0x1200  }
0xe: {  	[tilespmem:s8], [sflag:$0x1] =	stream.indirect.gather [hbm4b:s5+s6], $0x20, s6, s6, $0xb8;
	[tilespmem:$0x4200] =	vst v63  }
0xf: {  	s9 =	simm.s32 $0x100;
	s10 =	simm.s32 $0x2200  }
0x10: {  	[tilespmem:s10], [sflag:$0x1] =	stream.indirect.gather [hbm4b:s5+s6], $0x20, s9, s6, $0xb8;
	[tilespmem:$0x4200] =	vst v63  }
0x11: {  	s11 =	simm.s32 $0x180;
	s12 =	simm.s32 $0x3200;
	s13 =	simm.s32 $0x1  }
0x12: {  	[tilespmem:s12], [sflag:$0x1] =	stream.indirect.gather [hbm4b:s5+s6], $0x20, s11, s6, $0xb8;
	[tilespmem:$0x4200] =	vst v63  }
0x13: {  	_ =	swait.ge [sflag:s13], $0x1000  }
0x14: {  	[sflag:s13] =	ssyncset.done $0x0  }
0x15: {  	[sflag:s13] =	ssyncadd.s32 $0xFFFFF000  }
0x16: {  	_ =	swait.ge [sflag:s13], $0x1000  }
0x17: {  	[sflag:s13] =	ssyncset.done $0x0  }
0x18: {  	s15 =	ssub.s32 $0x2, s15;
	[sflag:s13] =	ssyncadd.s32 $0xFFFFF000  }
0x19: {  	s17 =	sshrl.u32 s15, $0x1;
	_ =	swait.ge [sflag:s13], $0x1000  }
0x1a: {  	s15 =	ssub.s32 s15, s17;
	[sflag:s13] =	ssyncset.done $0x0  }
0x1b: {  	s15 =	smax.u32 s15, $0x1;
	[sflag:s13] =	ssyncadd.s32 $0xFFFFF000  }
0x1c: {  	p0 =	sne.s32 s15, $0x1;
	_ =	swait.ge [sflag:s13], $0x1000  }
.Ltmp0:
0x1d: {  	s16 =	sshll.u32 s16, $0xB;
	[sflag:s13] =	ssyncset.done $0x0;
	(pc) =	sbr.rel @!p0 .LBB2_2-.Ltmp0, $4  }
0x1e: {  	s14 =	sadd.s32 s14, s16;
	[sflag:s13] =	ssyncadd.s32 $0xFFFFF000  }
0x1f: {  	[hbm4b:s14+s2] =	stream.linear.scatter [tilespmem:s7], [sflag:$0x2], $0x4000, $0x38;
	[tilespmem:$0x4200] =	vst v63  }
0x20: {  	_ =	swait.ge [sflag:s3], $0x4000  }
0x21: {  	s15 =	sadd.s32 $0xFFFFFFFF, s15;
	[sflag:s3] =	ssyncset.done $0x0  }
.LBB2_1:
0x22: {  	p0 =	sne.s32 s15, $0x1;
	s15 =	sadd.s32 $0xFFFFFFFF, s15;
	[sflag:s3] =	ssyncadd.s32 $0xFFFFC000  }
0x23: {  	[tilespmem:s2], [sflag:$0x2] =	stream.linear.gather [hbm4b:s4+s2], $0x200, $0x38;
	[tilespmem:$0x4200] =	vst v63  }
0x24: {  	_ =	swait.ge [sflag:s3], $0x200  }
0x25: {  	[sflag:s3] =	ssyncset.done $0x0  }
0x26: {  	[sflag:s3] =	ssyncadd.s32 $0xFFFFFE00  }
0x27: {  	[tilespmem:s7], [sflag:$0x1] =	stream.indirect.gather [hbm4b:s5+s6], $0x20, s2, s6, $0xb8;
	[tilespmem:$0x4200] =	vst v63  }
0x28: {  	_ = 	snop  }
0x29: {  	[tilespmem:s8], [sflag:$0x1] =	stream.indirect.gather [hbm4b:s5+s6], $0x20, s6, s6, $0xb8;
	[tilespmem:$0x4200] =	vst v63  }
0x2a: {  	_ = 	snop  }
0x2b: {  	[tilespmem:s10], [sflag:$0x1] =	stream.indirect.gather [hbm4b:s5+s6], $0x20, s9, s6, $0xb8;
	[tilespmem:$0x4200] =	vst v63  }
0x2c: {  	_ = 	snop  }
0x2d: {  	[tilespmem:s12], [sflag:$0x1] =	stream.indirect.gather [hbm4b:s5+s6], $0x20, s11, s6, $0xb8;
	[tilespmem:$0x4200] =	vst v63  }
0x2e: {  	_ =	swait.ge [sflag:s13], $0x1000  }
0x2f: {  	[sflag:s13] =	ssyncset.done $0x0  }
0x30: {  	[sflag:s13] =	ssyncadd.s32 $0xFFFFF000  }
0x31: {  	_ =	swait.ge [sflag:s13], $0x1000  }
0x32: {  	[sflag:s13] =	ssyncset.done $0x0  }
0x33: {  	[sflag:s13] =	ssyncadd.s32 $0xFFFFF000  }
0x34: {  	_ =	swait.ge [sflag:s13], $0x1000  }
0x35: {  	[sflag:s13] =	ssyncset.done $0x0  }
0x36: {  	[sflag:s13] =	ssyncadd.s32 $0xFFFFF000  }
0x37: {  	_ =	swait.ge [sflag:s13], $0x1000  }
.Ltmp1:
0x38: {  	[sflag:s13] =	ssyncset.done $0x0;
	(pc) =	sbr.rel @p0 .LBB2_1-.Ltmp1, $4  }
0x39: {  	[sflag:s13] =	ssyncadd.s32 $0xFFFFF000  }
0x3a: {  	[hbm4b:s14+s2] =	stream.linear.scatter [tilespmem:s7], [sflag:$0x2], $0x4000, $0x38;
	[tilespmem:$0x4200] =	vst v63  }
0x3b: {  	_ =	swait.ge [sflag:s3], $0x4000  }
0x3c: {  	[sflag:s3] =	ssyncset.done $0x0  }
.LBB2_2:
0x3d: {  	[sflag:s3] =	ssyncadd.s32 $0xFFFFC000  }
0x3e: {  	_ =	sfence.sel $0x180000  }
0x3f: {  	[bflag:$0x0] =	sbarrier.arrive $0xFFFF  }
0x40: {  	p0 =	sne.s32 s0, $0x0;
	_ =	strace $0x90000047  }
0x41: {  	s0 =	sadd.s32 @!p0 $0x100000, s1;
	[bflag:$0x2] =	sbarrier.arrive $0xFFFF  }
0x42: {  	[sflag:s0] =	ssyncadd.tile.s32 @!p0 $0x1;
	_ =	shalt  }
.Lfunc_end2:
_tile_overlayer_lowered:
.L_overlay_start_2:
0x43: {  	(tag) =	ssettag $0x2  }
0x44: {  	s0 =	rddreg [dreg:$0x0];
	s2 =	stileid.u32  }
0x45: {  	s1 =	rddreg [dreg:$0x1];
	p0 =	sne.s32 s2, $0x0  }
0x46: {  	s3 =	rddreg [dreg:$0x2];
	[bflag:$0x3] =	sbarrier.arrive $0xFFFF;
	s2 =	simm.s32 @!p0 $0x1C02  }
0x47: {  	[timem:s3], [sflag:s2] =	dma.local @!p0 [hbm:s0], s1  }
0x48: {  	s0 =	simm.s32 @!p0 $0x2  }
0x49: {  	_ =	swait.ge @!p0 [sflag:s0], s1  }
0x4a: {  	s1 =	ssub.s32 @!p0 $0x0, s1;
	[sflag:s0] =	ssyncset.done @!p0 $0x0  }
0x4b: {  	[sflag:s0] =	ssyncadd.s32 @!p0 s1  }
0x4c: {  	[bflag:$0x3] =	sbarrier.arrive $0xFFFF  }
0x4d: {  	_ =	shalt  }

</sc_bundles>
